<compile_context>
chip_gen: v7x
topology: tpu7x:2x2x1
jax: 0.10.2.dev20260603
libtpu: 0.0.44.dev20260713+nightly
codegen_flags: <defaults>
</compile_context>

<pallas_src>
import functools

import jax
import jax.numpy as jnp
from jax import lax
from jax.experimental import pallas as pl
from jax.experimental.pallas import tpu as pltpu
from jax.experimental.pallas import tpu_sc as plsc

N_NODES = 10000
N_EDGES = 320000
D = 128

NC = 2
NS = 16
NW = NC * NS

EPW = N_EDGES // NW
CH = 80
NCHUNK = EPW // CH
NBUF = 3
PIPE = (NCHUNK // NBUF) * NBUF
TILE_ROWS = 640
LAST_TILE_ROWS = N_NODES - (NS - 1) * TILE_ROWS
ZROWS = 16


def _sc_scatter(ea1, ea2, idx0, idx1):
    mesh = plsc.VectorSubcoreMesh(core_axis_name="c", subcore_axis_name="s")

    @functools.partial(
        pl.kernel,
        mesh=mesh,
        out_type=jax.ShapeDtypeStruct((2 * N_NODES, D), jnp.float32),
        scratch_types=[
            pltpu.VMEM_SHARED((N_NODES, D), jnp.float32),
            pltpu.VMEM((NCHUNK, CH), jnp.int32),
            pltpu.VMEM((NBUF, CH, D), jnp.float32),
            pltpu.VMEM((ZROWS, D), jnp.float32),
            pltpu.SemaphoreType.DMA,
        ] + [pltpu.SemaphoreType.DMA] * NBUF,
    )
    def body(ea1_hbm, ea2_hbm, idx0_hbm, idx1_hbm, out_hbm, acc, idx_v, rows_v,
             zbuf, sem_idx, *sems):
        c = lax.axis_index("c")
        s = lax.axis_index("s")
        w = s * NC + c

        def load(ea_hbm, j, b):
            return pltpu.make_async_copy(
                ea_hbm.at[pl.ds(w * EPW + j * CH, CH)], rows_v.at[b], sems[b])

        idx_cp0 = pltpu.make_async_copy(idx0_hbm.at[w], idx_v, sem_idx)
        idx_cp0.start()
        for b in range(NBUF):
            load(ea1_hbm, b, b).start()

        def zrow(i, carry):
            def zcol(k, carry2):
                zbuf[i, pl.ds(k * 16, 16)] = jnp.zeros((16,), jnp.float32)
                return carry2
            return lax.fori_loop(0, D // 16, zcol, carry)
        lax.fori_loop(0, ZROWS, zrow, 0)

        ncopies = jnp.where(s < NS - 1, TILE_ROWS // ZROWS,
                            LAST_TILE_ROWS // ZROWS)

        def zcopy(t, carry):
            pltpu.sync_copy(
                zbuf, acc.at[pl.ds(s * TILE_ROWS + t * ZROWS, ZROWS)])
            return carry
        lax.fori_loop(0, ncopies, zcopy, 0)

        plsc.subcore_barrier()
        idx_cp0.wait()

        def pipeline(ea_hbm):
            def outer(g, carry):
                for b in range(NBUF):
                    j = g * NBUF + b
                    load(ea_hbm, j, b).wait()
                    pltpu.sync_copy(rows_v.at[b], acc.at[idx_v.at[j]], add=True)
                    jn = j + NBUF

                    @pl.when(jn < NCHUNK)
                    def _():
                        load(ea_hbm, jn, b).start()
                return carry
            lax.fori_loop(0, PIPE // NBUF, outer, 0)

            for j in range(PIPE, NCHUNK):
                b = j % NBUF
                load(ea_hbm, j, b).wait()
                pltpu.sync_copy(rows_v.at[b], acc.at[idx_v.at[j]], add=True)

        pipeline(ea1_hbm)
        pltpu.sync_copy(idx1_hbm.at[w], idx_v)
        for b in range(NBUF):
            load(ea2_hbm, b, b).start()
        pipeline(ea2_hbm)
        plsc.subcore_barrier()

        @pl.when(s < NS - 1)
        def _():
            pltpu.sync_copy(
                acc.at[pl.ds(s * TILE_ROWS, TILE_ROWS)],
                out_hbm.at[pl.ds(c * N_NODES + s * TILE_ROWS, TILE_ROWS)],
            )

        @pl.when(s == NS - 1)
        def _():
            pltpu.sync_copy(
                acc.at[pl.ds((NS - 1) * TILE_ROWS, LAST_TILE_ROWS)],
                out_hbm.at[pl.ds(c * N_NODES + (NS - 1) * TILE_ROWS, LAST_TILE_ROWS)],
            )

    return body(ea1, ea2, idx0, idx1)


def _tc_merge(partials, edge_attr_0, mfac):
    def body(m_ref, p0_ref, p1_ref, ea0_ref, o_ref):
        o_ref[...] = (p0_ref[...] + p1_ref[...]) * m_ref[0] + ea0_ref[...]

    return pl.pallas_call(
        body,
        grid=(1,),
        in_specs=[
            pl.BlockSpec(memory_space=pltpu.SMEM),
            pl.BlockSpec((N_NODES, D), lambda i: (0, 0)),
            pl.BlockSpec((N_NODES, D), lambda i: (1, 0)),
            pl.BlockSpec((N_NODES, D), lambda i: (0, 0)),
        ],
        out_specs=pl.BlockSpec((N_NODES, D), lambda i: (0, 0)),
        out_shape=jax.ShapeDtypeStruct((N_NODES, D), jnp.float32),
    )(mfac, partials, partials, edge_attr_0)


def kernel(edge_attr_0, edge_attr_1, edge_attr_2, edge_index_0, edge_index_1, num_nodes):
    idx0 = edge_index_0[0].reshape(NW, NCHUNK, CH)
    idx1 = edge_index_1[0].reshape(NW, NCHUNK, CH)
    partials = _sc_scatter(edge_attr_1, edge_attr_2, idx0, idx1)
    mfac = (jnp.asarray(num_nodes, jnp.int32) // N_NODES).astype(jnp.float32).reshape(1)
    return _tc_merge(partials, edge_attr_0, mfac)

# --- scband reference (transcript-rebuilt; emitter-appended) ---
"""Pipeline reference for scband-node-level-pooling-22256520528424 (READ-ONLY COPY).

The authoritative reference and input builder live on the scoring server;
editing this copy changes nothing except your own understanding.
"""

import jax, jax.numpy as jnp
import numpy as np

N_NODES = 10000
N_EDGES = 320000
D_FEAT = 128

def setup_inputs(seed: int = 0) -> dict:
    key = jax.random.key(seed)
    k0, k1, k2, k3, k4 = jax.random.split(key, 5)
    edge_attr_0 = jax.random.normal(k0, (N_NODES, D_FEAT), dtype=jnp.float32)
    edge_attr_1 = jax.random.normal(k1, (N_EDGES, D_FEAT), dtype=jnp.float32)
    edge_attr_2 = jax.random.normal(k2, (N_EDGES, D_FEAT), dtype=jnp.float32)
    edge_index_0 = jax.random.randint(k3, (2, N_EDGES), 0, N_NODES, dtype=jnp.int64 if jax.config.jax_enable_x64 else jnp.int32).astype(jnp.int32)
    edge_index_1 = jax.random.randint(k4, (2, N_EDGES), 0, N_NODES, dtype=jnp.int64 if jax.config.jax_enable_x64 else jnp.int32).astype(jnp.int32)
    return {
        "edge_attr_0": edge_attr_0,
        "edge_attr_1": edge_attr_1,
        "edge_attr_2": edge_attr_2,
        "edge_index_0": edge_index_0,
        "edge_index_1": edge_index_1,
        "num_nodes": N_NODES,
    }

def reference(edge_attr_0, edge_attr_1, edge_attr_2, edge_index_0, edge_index_1, num_nodes):
    # Faithful translation of NodeLevelPooling.forward with
    # edge_attr_list = [edge_attr_0, edge_attr_1, edge_attr_2]
    # edge_index_list = [edge_index_0, edge_index_1]
    # node_emb = sum_i scatter(edge_attr_list[i], edge_index_list[i-1][0], dim=0, dim_size=num_nodes, reduce='sum')
    num_nodes_static = edge_attr_0.shape[0]
    s1 = jax.ops.segment_sum(edge_attr_1, edge_index_0[0], num_segments=num_nodes_static)
    s2 = jax.ops.segment_sum(edge_attr_2, edge_index_1[0], num_segments=num_nodes_static)
    node_emb = (s1 + s2) * (num_nodes // num_nodes_static)
    return node_emb + edge_attr_0

if __name__ == "__main__":
    import jax
    _d = setup_inputs()
    print(jax.jit(kernel)(*tuple(_d.values())))

</pallas_src>

<mosaic_0001>
#map = affine_map<(d0, d1) -> (0, 0)>
#map1 = affine_map<(d0, d1) -> (0, 0, 0)>
module attributes {stable_mosaic.version = 14 : i64} {
  func.func @body(%arg0: i32, %arg1: i32, %arg2: memref<320000x128xf32, #tpu.memory_space<hbm>>, %arg3: memref<320000x128xf32, #tpu.memory_space<hbm>>, %arg4: memref<32x125x80xi32, #tpu.memory_space<hbm>>, %arg5: memref<32x125x80xi32, #tpu.memory_space<hbm>>, %arg6: memref<20000x128xf32, #tpu.memory_space<hbm>>, %arg7: memref<10000x128xf32, #tpu.memory_space<vmem_shared>>, %arg8: memref<125x80xi32, #tpu.memory_space<vmem>>, %arg9: memref<3x80x128xf32, #tpu.memory_space<vmem>>, %arg10: memref<16x128xf32, #tpu.memory_space<vmem>>, %arg11: memref<!tpu.dma_semaphore, #tpu.memory_space<semaphore_mem>>, %arg12: memref<!tpu.dma_semaphore, #tpu.memory_space<semaphore_mem>>, %arg13: memref<!tpu.dma_semaphore, #tpu.memory_space<semaphore_mem>>, %arg14: memref<!tpu.dma_semaphore, #tpu.memory_space<semaphore_mem>>) attributes {dimension_semantics = [#tpu.dimension_semantics<core_parallel>, #tpu.dimension_semantics<subcore_parallel>], iteration_bounds = array<i64: 2, 16>, scalar_prefetch = 0 : i64, scratch_operands = 8 : i64, tpu.core_type = #tpu.core_type<sc_vector_subcore>, window_params = [{transform_indices = #map}, {transform_indices = #map}, {transform_indices = #map1}, {transform_indices = #map1}, {transform_indices = #map}]} {
    %mul3A = arith.constant 2 : i32
    %mul3A_0 = arith.muli %arg1, %mul3A : i32
    %add3A = arith.addi %mul3A_0, %arg0 : i32
    %dma_start3A = arith.constant 0 : i32
    %dma_start3A_1 = arith.constant 0 : i32
    %dma_start3A_2 = tpu.memref_slice %arg4[%add3A, %dma_start3A, %dma_start3A_1] : memref<32x125x80xi32, #tpu.memory_space<hbm>> -> memref<1x125x80xi32, #tpu.memory_space<hbm>>
    %dma_start3A_3 = tpu.memref_squeeze %dma_start3A_2 : memref<1x125x80xi32, #tpu.memory_space<hbm>> -> memref<125x80xi32, #tpu.memory_space<hbm>>
    %dma_start3A_4 = arith.constant 0 : i32
    %dma_start3A_5 = arith.constant 0 : i32
    %dma_start3A_6 = tpu.memref_slice %arg4[%add3A, %dma_start3A_4, %dma_start3A_5] : memref<32x125x80xi32, #tpu.memory_space<hbm>> -> memref<1x125x80xi32, #tpu.memory_space<hbm>>
    %dma_start3A_7 = tpu.memref_squeeze %dma_start3A_6 : memref<1x125x80xi32, #tpu.memory_space<hbm>> -> memref<125x80xi32, #tpu.memory_space<hbm>>
    tpu.enqueue_dma source(%dma_start3A_7 : memref<125x80xi32, #tpu.memory_space<hbm>>) target(%arg8 : memref<125x80xi32, #tpu.memory_space<vmem>>) target_semaphore(%arg11 : memref<!tpu.dma_semaphore, #tpu.memory_space<semaphore_mem>>)
    %mul3A_8 = arith.constant 10000 : i32
    %mul3A_9 = arith.muli %add3A, %mul3A_8 : i32
    %add3A_10 = arith.constant 0 : i32
    %add3A_11 = arith.addi %mul3A_9, %add3A_10 : i32
    %dma_start3A_12 = arith.constant 0 : i32
    %dma_start3A_13 = arith.constant 0 : i32
    %dma_start3A_14 = arith.constant 0 : i32
    %dma_start3A_15 = tpu.memref_slice %arg9[%dma_start3A_12, %dma_start3A_13, %dma_start3A_14] : memref<3x80x128xf32, #tpu.memory_space<vmem>> -> memref<1x80x128xf32, #tpu.memory_space<vmem>>
    %dma_start3A_16 = tpu.memref_squeeze %dma_start3A_15 : memref<1x80x128xf32, #tpu.memory_space<vmem>> -> memref<80x128xf32, #tpu.memory_space<vmem>>
    %dma_start3A_17 = arith.constant 0 : i32
    %dma_start3A_18 = tpu.memref_slice %arg2[%add3A_11, %dma_start3A_17] : memref<320000x128xf32, #tpu.memory_space<hbm>> -> memref<80x128xf32, #tpu.memory_space<hbm>>
    %dma_start3A_19 = arith.constant 0 : i32
    %dma_start3A_20 = arith.constant 0 : i32
    %dma_start3A_21 = tpu.memref_slice %arg9[%dma_start3A_12, %dma_start3A_19, %dma_start3A_20] : memref<3x80x128xf32, #tpu.memory_space<vmem>> -> memref<1x80x128xf32, #tpu.memory_space<vmem>>
    %dma_start3A_22 = tpu.memref_squeeze %dma_start3A_21 : memref<1x80x128xf32, #tpu.memory_space<vmem>> -> memref<80x128xf32, #tpu.memory_space<vmem>>
    %dma_start3A_23 = arith.constant 0 : i32
    %dma_start3A_24 = tpu.memref_slice %arg2[%add3A_11, %dma_start3A_23] : memref<320000x128xf32, #tpu.memory_space<hbm>> -> memref<80x128xf32, #tpu.memory_space<hbm>>
    tpu.enqueue_dma source(%dma_start3A_24 : memref<80x128xf32, #tpu.memory_space<hbm>>) target(%dma_start3A_22 : memref<80x128xf32, #tpu.memory_space<vmem>>) target_semaphore(%arg12 : memref<!tpu.dma_semaphore, #tpu.memory_space<semaphore_mem>>)
    %mul3A_25 = arith.constant 10000 : i32
    %mul3A_26 = arith.muli %add3A, %mul3A_25 : i32
    %add3A_27 = arith.constant 80 : i32
    %add3A_28 = arith.addi %mul3A_26, %add3A_27 : i32
    %dma_start3A_29 = arith.constant 1 : i32
    %dma_start3A_30 = arith.constant 0 : i32
    %dma_start3A_31 = arith.constant 0 : i32
    %dma_start3A_32 = tpu.memref_slice %arg9[%dma_start3A_29, %dma_start3A_30, %dma_start3A_31] : memref<3x80x128xf32, #tpu.memory_space<vmem>> -> memref<1x80x128xf32, #tpu.memory_space<vmem>>
    %dma_start3A_33 = tpu.memref_squeeze %dma_start3A_32 : memref<1x80x128xf32, #tpu.memory_space<vmem>> -> memref<80x128xf32, #tpu.memory_space<vmem>>
    %dma_start3A_34 = arith.constant 0 : i32
    %dma_start3A_35 = tpu.memref_slice %arg2[%add3A_28, %dma_start3A_34] : memref<320000x128xf32, #tpu.memory_space<hbm>> -> memref<80x128xf32, #tpu.memory_space<hbm>>
    %dma_start3A_36 = arith.constant 0 : i32
    %dma_start3A_37 = arith.constant 0 : i32
    %dma_start3A_38 = tpu.memref_slice %arg9[%dma_start3A_29, %dma_start3A_36, %dma_start3A_37] : memref<3x80x128xf32, #tpu.memory_space<vmem>> -> memref<1x80x128xf32, #tpu.memory_space<vmem>>
    %dma_start3A_39 = tpu.memref_squeeze %dma_start3A_38 : memref<1x80x128xf32, #tpu.memory_space<vmem>> -> memref<80x128xf32, #tpu.memory_space<vmem>>
    %dma_start3A_40 = arith.constant 0 : i32
    %dma_start3A_41 = tpu.memref_slice %arg2[%add3A_28, %dma_start3A_40] : memref<320000x128xf32, #tpu.memory_space<hbm>> -> memref<80x128xf32, #tpu.memory_space<hbm>>
    tpu.enqueue_dma source(%dma_start3A_41 : memref<80x128xf32, #tpu.memory_space<hbm>>) target(%dma_start3A_39 : memref<80x128xf32, #tpu.memory_space<vmem>>) target_semaphore(%arg13 : memref<!tpu.dma_semaphore, #tpu.memory_space<semaphore_mem>>)
    %mul3A_42 = arith.constant 10000 : i32
    %mul3A_43 = arith.muli %add3A, %mul3A_42 : i32
    %add3A_44 = arith.constant 160 : i32
    %add3A_45 = arith.addi %mul3A_43, %add3A_44 : i32
    %dma_start3A_46 = arith.constant 2 : i32
    %dma_start3A_47 = arith.constant 0 : i32
    %dma_start3A_48 = arith.constant 0 : i32
    %dma_start3A_49 = tpu.memref_slice %arg9[%dma_start3A_46, %dma_start3A_47, %dma_start3A_48] : memref<3x80x128xf32, #tpu.memory_space<vmem>> -> memref<1x80x128xf32, #tpu.memory_space<vmem>>
    %dma_start3A_50 = tpu.memref_squeeze %dma_start3A_49 : memref<1x80x128xf32, #tpu.memory_space<vmem>> -> memref<80x128xf32, #tpu.memory_space<vmem>>
    %dma_start3A_51 = arith.constant 0 : i32
    %dma_start3A_52 = tpu.memref_slice %arg2[%add3A_45, %dma_start3A_51] : memref<320000x128xf32, #tpu.memory_space<hbm>> -> memref<80x128xf32, #tpu.memory_space<hbm>>
    %dma_start3A_53 = arith.constant 0 : i32
    %dma_start3A_54 = arith.constant 0 : i32
    %dma_start3A_55 = tpu.memref_slice %arg9[%dma_start3A_46, %dma_start3A_53, %dma_start3A_54] : memref<3x80x128xf32, #tpu.memory_space<vmem>> -> memref<1x80x128xf32, #tpu.memory_space<vmem>>
    %dma_start3A_56 = tpu.memref_squeeze %dma_start3A_55 : memref<1x80x128xf32, #tpu.memory_space<vmem>> -> memref<80x128xf32, #tpu.memory_space<vmem>>
    %dma_start3A_57 = arith.constant 0 : i32
    %dma_start3A_58 = tpu.memref_slice %arg2[%add3A_45, %dma_start3A_57] : memref<320000x128xf32, #tpu.memory_space<hbm>> -> memref<80x128xf32, #tpu.memory_space<hbm>>
    tpu.enqueue_dma source(%dma_start3A_58 : memref<80x128xf32, #tpu.memory_space<hbm>>) target(%dma_start3A_56 : memref<80x128xf32, #tpu.memory_space<vmem>>) target_semaphore(%arg14 : memref<!tpu.dma_semaphore, #tpu.memory_space<semaphore_mem>>)
    %scan3A = arith.constant 0 : i32
    %scan3A_59 = arith.constant 0 : i32
    %scan3A_60 = arith.constant 16 : i32
    %scan3A_61 = arith.addi %scan3A_59, %scan3A_60 : i32
    %scan3A_62 = arith.constant 1 : i32
    scf.for %scan3A_228 = %scan3A_59 to %scan3A_61 step %scan3A_62  : i32 {
      %scan3A_229 = arith.constant 0 : i32
      %scan3A_230 = arith.constant 8 : i32
      %scan3A_231 = arith.addi %scan3A_229, %scan3A_230 : i32
      %scan3A_232 = arith.constant 1 : i32
      scf.for %scan3A_234 = %scan3A_229 to %scan3A_231 step %scan3A_232  : i32 {
        %broadcast_in_dim3A = arith.constant 0.000000e+00 : f32
        %broadcast_in_dim3A_235 = vector.broadcast %broadcast_in_dim3A : f32 to vector<16xf32>
        %mul3A_236 = arith.constant 16 : i32
        %mul3A_237 = arith.muli %scan3A_234, %mul3A_236 : i32
        %swap3A = arith.index_cast %scan3A_228 : i32 to index
        %swap3A_238 = arith.index_cast %mul3A_237 : i32 to index
        %swap3A_239 = tpu.vector_load %arg10[%swap3A, %swap3A_238] {strides = array<i32>} : memref<16x128xf32, #tpu.memory_space<vmem>>, vector<1x16xf32>,
        %swap3A_240 = vector.shape_cast %swap3A_239 : vector<1x16xf32> to vector<16xf32>
        %swap3A_241 = vector.shape_cast %broadcast_in_dim3A_235 : vector<16xf32> to vector<1x16xf32>
        tpu.vector_store %arg10[%swap3A, %swap3A_238], %swap3A_241 {strides = array<i32>} : memref<16x128xf32, #tpu.memory_space<vmem>>, vector<1x16xf32>,
      }
      %scan3A_233 = arith.constant 8 : i32
    }
    %scan3A_63 = arith.constant 16 : i32
    %lt3A = arith.constant 15 : i32
    %lt3A_64 = arith.cmpi slt, %arg1, %lt3A : i32
    %jit3A = arith.constant 40 : i32
    %jit3A_65 = arith.constant 25 : i32
    %select_n3A = arith.select %lt3A_64, %jit3A, %jit3A_65 : i32
    %while3A = arith.constant 0 : i32
    %while3A_66 = arith.constant 0 : i32
    %while3A_67 = arith.subi %select_n3A, %while3A_66 : i32
    %while3A_68 = arith.addi %while3A_66, %while3A_67 : i32
    %while3A_69 = arith.constant 1 : i32
    %while3A_70 = arith.divsi %while3A_67, %while3A_69 : i32
    %while3A_71 = arith.muli %while3A_70, %while3A_69 : i32
    %while3A_72 = arith.addi %while3A_66, %while3A_71 : i32
    %while3A_73 = arith.constant 1 : i32
    scf.for %while3A_228 = %while3A_66 to %while3A_72 step %while3A_73  : i32 {
      %mul3A_229 = arith.constant 640 : i32
      %mul3A_230 = arith.muli %arg1, %mul3A_229 : i32
      %mul3A_231 = arith.constant 16 : i32
      %mul3A_232 = arith.muli %while3A_228, %mul3A_231 : i32
      %add3A_233 = arith.addi %mul3A_230, %mul3A_232 : i32
      "tpu.region"() ({
        %run_scoped3A_234 = tpu.sem_alloc : memref<!tpu.dma_semaphore, #tpu.memory_space<semaphore_mem>>
        %dma_start3A_235 = arith.constant 0 : i32
        %dma_start3A_236 = tpu.memref_slice %arg7[%add3A_233, %dma_start3A_235] : memref<10000x128xf32, #tpu.memory_space<vmem_shared>> -> memref<16x128xf32, #tpu.memory_space<vmem_shared>>
        %dma_start3A_237 = arith.constant 0 : i32
        %dma_start3A_238 = tpu.memref_slice %arg7[%add3A_233, %dma_start3A_237] : memref<10000x128xf32, #tpu.memory_space<vmem_shared>> -> memref<16x128xf32, #tpu.memory_space<vmem_shared>>
        tpu.enqueue_dma source(%arg10 : memref<16x128xf32, #tpu.memory_space<vmem>>) target(%dma_start3A_238 : memref<16x128xf32, #tpu.memory_space<vmem_shared>>) target_semaphore(%run_scoped3A_234 : memref<!tpu.dma_semaphore, #tpu.memory_space<semaphore_mem>>)
        %dma_wait3A_239 = arith.constant 0 : i32
        %dma_wait3A_240 = tpu.memref_slice %arg7[%add3A_233, %dma_wait3A_239] : memref<10000x128xf32, #tpu.memory_space<vmem_shared>> -> memref<16x128xf32, #tpu.memory_space<vmem_shared>>
        %dma_wait3A_241 = arith.constant 0 : i32
        %dma_wait3A_242 = tpu.memref_slice %arg7[%add3A_233, %dma_wait3A_241] : memref<10000x128xf32, #tpu.memory_space<vmem_shared>> -> memref<16x128xf32, #tpu.memory_space<vmem_shared>>
        tpu.wait_dma2 semaphore(%run_scoped3A_234 : memref<!tpu.dma_semaphore, #tpu.memory_space<semaphore_mem>>) src(%arg10 : memref<16x128xf32, #tpu.memory_space<vmem>>) dst(%dma_wait3A_242 : memref<16x128xf32, #tpu.memory_space<vmem_shared>>)
        tpu.yield
      }) : () -> ()
    }
    %while3A_74 = arith.constant 1 : i32
    scf.for %while3A_228 = %while3A_72 to %while3A_68 step %while3A_74  : i32 {
      %mul3A_229 = arith.constant 640 : i32
      %mul3A_230 = arith.muli %arg1, %mul3A_229 : i32
      %mul3A_231 = arith.constant 16 : i32
      %mul3A_232 = arith.muli %while3A_228, %mul3A_231 : i32
      %add3A_233 = arith.addi %mul3A_230, %mul3A_232 : i32
      "tpu.region"() ({
        %run_scoped3A_234 = tpu.sem_alloc : memref<!tpu.dma_semaphore, #tpu.memory_space<semaphore_mem>>
        %dma_start3A_235 = arith.constant 0 : i32
        %dma_start3A_236 = tpu.memref_slice %arg7[%add3A_233, %dma_start3A_235] : memref<10000x128xf32, #tpu.memory_space<vmem_shared>> -> memref<16x128xf32, #tpu.memory_space<vmem_shared>>
        %dma_start3A_237 = arith.constant 0 : i32
        %dma_start3A_238 = tpu.memref_slice %arg7[%add3A_233, %dma_start3A_237] : memref<10000x128xf32, #tpu.memory_space<vmem_shared>> -> memref<16x128xf32, #tpu.memory_space<vmem_shared>>
        tpu.enqueue_dma source(%arg10 : memref<16x128xf32, #tpu.memory_space<vmem>>) target(%dma_start3A_238 : memref<16x128xf32, #tpu.memory_space<vmem_shared>>) target_semaphore(%run_scoped3A_234 : memref<!tpu.dma_semaphore, #tpu.memory_space<semaphore_mem>>)
        %dma_wait3A_239 = arith.constant 0 : i32
        %dma_wait3A_240 = tpu.memref_slice %arg7[%add3A_233, %dma_wait3A_239] : memref<10000x128xf32, #tpu.memory_space<vmem_shared>> -> memref<16x128xf32, #tpu.memory_space<vmem_shared>>
        %dma_wait3A_241 = arith.constant 0 : i32
        %dma_wait3A_242 = tpu.memref_slice %arg7[%add3A_233, %dma_wait3A_241] : memref<10000x128xf32, #tpu.memory_space<vmem_shared>> -> memref<16x128xf32, #tpu.memory_space<vmem_shared>>
        tpu.wait_dma2 semaphore(%run_scoped3A_234 : memref<!tpu.dma_semaphore, #tpu.memory_space<semaphore_mem>>) src(%arg10 : memref<16x128xf32, #tpu.memory_space<vmem>>) dst(%dma_wait3A_242 : memref<16x128xf32, #tpu.memory_space<vmem_shared>>)
        tpu.yield
      }) : () -> ()
    }
    %barrier3A = arith.constant 0 : index
    tpu.barrier barrier_id(%barrier3A)
    %dma_wait3A = arith.constant 0 : i32
    %dma_wait3A_75 = arith.constant 0 : i32
    %dma_wait3A_76 = tpu.memref_slice %arg4[%add3A, %dma_wait3A, %dma_wait3A_75] : memref<32x125x80xi32, #tpu.memory_space<hbm>> -> memref<1x125x80xi32, #tpu.memory_space<hbm>>
    %dma_wait3A_77 = tpu.memref_squeeze %dma_wait3A_76 : memref<1x125x80xi32, #tpu.memory_space<hbm>> -> memref<125x80xi32, #tpu.memory_space<hbm>>
    %dma_wait3A_78 = arith.constant 0 : i32
    %dma_wait3A_79 = arith.constant 0 : i32
    %dma_wait3A_80 = tpu.memref_slice %arg4[%add3A, %dma_wait3A_78, %dma_wait3A_79] : memref<32x125x80xi32, #tpu.memory_space<hbm>> -> memref<1x125x80xi32, #tpu.memory_space<hbm>>
    %dma_wait3A_81 = tpu.memref_squeeze %dma_wait3A_80 : memref<1x125x80xi32, #tpu.memory_space<hbm>> -> memref<125x80xi32, #tpu.memory_space<hbm>>
    tpu.wait_dma2 semaphore(%arg11 : memref<!tpu.dma_semaphore, #tpu.memory_space<semaphore_mem>>) src(%dma_wait3A_81 : memref<125x80xi32, #tpu.memory_space<hbm>>) dst(%arg8 : memref<125x80xi32, #tpu.memory_space<vmem>>)
    %scan3A_82 = arith.constant 0 : i32
    %scan3A_83 = arith.constant 0 : i32
    %scan3A_84 = arith.constant 41 : i32
    %scan3A_85 = arith.addi %scan3A_83, %scan3A_84 : i32
    %scan3A_86 = arith.constant 1 : i32
    scf.for %scan3A_228 = %scan3A_83 to %scan3A_85 step %scan3A_86  : i32 {
      %mul3A_229 = arith.constant 3 : i32
      %mul3A_230 = arith.muli %scan3A_228, %mul3A_229 : i32
      %add3A_231 = arith.constant 0 : i32
      %add3A_232 = arith.addi %mul3A_230, %add3A_231 : i32
      %mul3A_233 = arith.constant 10000 : i32
      %mul3A_234 = arith.muli %add3A, %mul3A_233 : i32
      %mul3A_235 = arith.constant 80 : i32
      %mul3A_236 = arith.muli %add3A_232, %mul3A_235 : i32
      %add3A_237 = arith.addi %mul3A_234, %mul3A_236 : i32
      %dma_wait3A_238 = arith.constant 0 : i32
      %dma_wait3A_239 = arith.constant 0 : i32
      %dma_wait3A_240 = arith.constant 0 : i32
      %dma_wait3A_241 = tpu.memref_slice %arg9[%dma_wait3A_238, %dma_wait3A_239, %dma_wait3A_240] : memref<3x80x128xf32, #tpu.memory_space<vmem>> -> memref<1x80x128xf32, #tpu.memory_space<vmem>>
      %dma_wait3A_242 = tpu.memref_squeeze %dma_wait3A_241 : memref<1x80x128xf32, #tpu.memory_space<vmem>> -> memref<80x128xf32, #tpu.memory_space<vmem>>
      %dma_wait3A_243 = arith.constant 0 : i32
      %dma_wait3A_244 = tpu.memref_slice %arg2[%add3A_237, %dma_wait3A_243] : memref<320000x128xf32, #tpu.memory_space<hbm>> -> memref<80x128xf32, #tpu.memory_space<hbm>>
      %dma_wait3A_245 = arith.constant 0 : i32
      %dma_wait3A_246 = arith.constant 0 : i32
      %dma_wait3A_247 = tpu.memref_slice %arg9[%dma_wait3A_238, %dma_wait3A_245, %dma_wait3A_246] : memref<3x80x128xf32, #tpu.memory_space<vmem>> -> memref<1x80x128xf32, #tpu.memory_space<vmem>>
      %dma_wait3A_248 = tpu.memref_squeeze %dma_wait3A_247 : memref<1x80x128xf32, #tpu.memory_space<vmem>> -> memref<80x128xf32, #tpu.memory_space<vmem>>
      %dma_wait3A_249 = arith.constant 0 : i32
      %dma_wait3A_250 = tpu.memref_slice %arg2[%add3A_237, %dma_wait3A_249] : memref<320000x128xf32, #tpu.memory_space<hbm>> -> memref<80x128xf32, #tpu.memory_space<hbm>>
      tpu.wait_dma2 semaphore(%arg12 : memref<!tpu.dma_semaphore, #tpu.memory_space<semaphore_mem>>) src(%dma_wait3A_250 : memref<80x128xf32, #tpu.memory_space<hbm>>) dst(%dma_wait3A_248 : memref<80x128xf32, #tpu.memory_space<vmem>>)
      %run_scoped3A_251 = arith.constant 0 : i32
      "tpu.region"() ({
        %run_scoped3A_319 = tpu.sem_alloc : memref<!tpu.dma_semaphore, #tpu.memory_space<semaphore_mem>>
        %dma_start3A_320 = arith.constant 0 : i32
        %dma_start3A_321 = arith.constant 0 : i32
        %dma_start3A_322 = tpu.memref_slice %arg9[%run_scoped3A_251, %dma_start3A_320, %dma_start3A_321] : memref<3x80x128xf32, #tpu.memory_space<vmem>> -> memref<1x80x128xf32, #tpu.memory_space<vmem>>
        %dma_start3A_323 = tpu.memref_squeeze %dma_start3A_322 : memref<1x80x128xf32, #tpu.memory_space<vmem>> -> memref<80x128xf32, #tpu.memory_space<vmem>>
        %dma_start3A_324 = arith.constant 0 : i32
        %dma_start3A_325 = tpu.memref_slice %arg8[%add3A_232, %dma_start3A_324] : memref<125x80xi32, #tpu.memory_space<vmem>> -> memref<1x80xi32, #tpu.memory_space<vmem>>
        %dma_start3A_326 = tpu.memref_squeeze %dma_start3A_325 : memref<1x80xi32, #tpu.memory_space<vmem>> -> memref<80xi32, #tpu.memory_space<vmem>>
        %dma_start3A_327 = arith.constant 0 : i32
        %dma_start3A_328 = arith.constant 0 : i32
        %dma_start3A_329 = tpu.memref_slice %arg7[%dma_start3A_327, %dma_start3A_328] : memref<10000x128xf32, #tpu.memory_space<vmem_shared>> -> memref<10000x128xf32, #tpu.memory_space<vmem_shared>>
        tpu.enqueue_indirect_dma source(%dma_start3A_323 : memref<80x128xf32, #tpu.memory_space<vmem>>) target(%dma_start3A_329 : memref<10000x128xf32, #tpu.memory_space<vmem_shared>>) offsets(%dma_start3A_326 : memref<80xi32, #tpu.memory_space<vmem>>) semaphore(%run_scoped3A_319 : memref<!tpu.dma_semaphore, #tpu.memory_space<semaphore_mem>>) {add = true}
        %dma_wait3A_330 = arith.constant 0 : i32
        %dma_wait3A_331 = arith.constant 0 : i32
        %dma_wait3A_332 = tpu.memref_slice %arg9[%run_scoped3A_251, %dma_wait3A_330, %dma_wait3A_331] : memref<3x80x128xf32, #tpu.memory_space<vmem>> -> memref<1x80x128xf32, #tpu.memory_space<vmem>>
        %dma_wait3A_333 = tpu.memref_squeeze %dma_wait3A_332 : memref<1x80x128xf32, #tpu.memory_space<vmem>> -> memref<80x128xf32, #tpu.memory_space<vmem>>
        %dma_wait3A_334 = arith.constant 0 : i32
        %dma_wait3A_335 = tpu.memref_slice %arg8[%add3A_232, %dma_wait3A_334] : memref<125x80xi32, #tpu.memory_space<vmem>> -> memref<1x80xi32, #tpu.memory_space<vmem>>
        %dma_wait3A_336 = tpu.memref_squeeze %dma_wait3A_335 : memref<1x80xi32, #tpu.memory_space<vmem>> -> memref<80xi32, #tpu.memory_space<vmem>>
        %dma_wait3A_337 = arith.constant 0 : i32
        %dma_wait3A_338 = arith.constant 0 : i32
        %dma_wait3A_339 = tpu.memref_slice %arg7[%dma_wait3A_337, %dma_wait3A_338] : memref<10000x128xf32, #tpu.memory_space<vmem_shared>> -> memref<10000x128xf32, #tpu.memory_space<vmem_shared>>
        tpu.wait_indirect_dma semaphore(%run_scoped3A_319 : memref<!tpu.dma_semaphore, #tpu.memory_space<semaphore_mem>>) src(%dma_wait3A_333 : memref<80x128xf32, #tpu.memory_space<vmem>>) dst(%dma_wait3A_339 : memref<10000x128xf32, #tpu.memory_space<vmem_shared>>)
        tpu.yield
      }) : () -> ()
      %add3A_252 = arith.constant 3 : i32
      %add3A_253 = arith.addi %add3A_232, %add3A_252 : i32
      %lt3A_254 = arith.constant 125 : i32
      %lt3A_255 = arith.cmpi slt, %add3A_253, %lt3A_254 : i32
      %convert_element_type3A_256 = arith.extui %lt3A_255 : i1 to i32
      %cond3A_257 = arith.constant 0 : i32
      %cond3A_258 = arith.cmpi ne, %convert_element_type3A_256, %cond3A_257 : i32
      scf.if %cond3A_258 {
        %mul3A_319 = arith.constant 10000 : i32
        %mul3A_320 = arith.muli %add3A, %mul3A_319 : i32
        %mul3A_321 = arith.constant 80 : i32
        %mul3A_322 = arith.muli %add3A_253, %mul3A_321 : i32
        %add3A_323 = arith.addi %mul3A_320, %mul3A_322 : i32
        %dma_start3A_324 = arith.constant 0 : i32
        %dma_start3A_325 = arith.constant 0 : i32
        %dma_start3A_326 = arith.constant 0 : i32
        %dma_start3A_327 = tpu.memref_slice %arg9[%dma_start3A_324, %dma_start3A_325, %dma_start3A_326] : memref<3x80x128xf32, #tpu.memory_space<vmem>> -> memref<1x80x128xf32, #tpu.memory_space<vmem>>
        %dma_start3A_328 = tpu.memref_squeeze %dma_start3A_327 : memref<1x80x128xf32, #tpu.memory_space<vmem>> -> memref<80x128xf32, #tpu.memory_space<vmem>>
        %dma_start3A_329 = arith.constant 0 : i32
        %dma_start3A_330 = tpu.memref_slice %arg2[%add3A_323, %dma_start3A_329] : memref<320000x128xf32, #tpu.memory_space<hbm>> -> memref<80x128xf32, #tpu.memory_space<hbm>>
        %dma_start3A_331 = arith.constant 0 : i32
        %dma_start3A_332 = arith.constant 0 : i32
        %dma_start3A_333 = tpu.memref_slice %arg9[%dma_start3A_324, %dma_start3A_331, %dma_start3A_332] : memref<3x80x128xf32, #tpu.memory_space<vmem>> -> memref<1x80x128xf32, #tpu.memory_space<vmem>>
        %dma_start3A_334 = tpu.memref_squeeze %dma_start3A_333 : memref<1x80x128xf32, #tpu.memory_space<vmem>> -> memref<80x128xf32, #tpu.memory_space<vmem>>
        %dma_start3A_335 = arith.constant 0 : i32
        %dma_start3A_336 = tpu.memref_slice %arg2[%add3A_323, %dma_start3A_335] : memref<320000x128xf32, #tpu.memory_space<hbm>> -> memref<80x128xf32, #tpu.memory_space<hbm>>
        tpu.enqueue_dma source(%dma_start3A_336 : memref<80x128xf32, #tpu.memory_space<hbm>>) target(%dma_start3A_334 : memref<80x128xf32, #tpu.memory_space<vmem>>) target_semaphore(%arg12 : memref<!tpu.dma_semaphore, #tpu.memory_space<semaphore_mem>>)
      } else {
      }
      %mul3A_259 = arith.constant 3 : i32
      %mul3A_260 = arith.muli %scan3A_228, %mul3A_259 : i32
      %add3A_261 = arith.constant 1 : i32
      %add3A_262 = arith.addi %mul3A_260, %add3A_261 : i32
      %mul3A_263 = arith.constant 10000 : i32
      %mul3A_264 = arith.muli %add3A, %mul3A_263 : i32
      %mul3A_265 = arith.constant 80 : i32
      %mul3A_266 = arith.muli %add3A_262, %mul3A_265 : i32
      %add3A_267 = arith.addi %mul3A_264, %mul3A_266 : i32
      %dma_wait3A_268 = arith.constant 1 : i32
      %dma_wait3A_269 = arith.constant 0 : i32
      %dma_wait3A_270 = arith.constant 0 : i32
      %dma_wait3A_271 = tpu.memref_slice %arg9[%dma_wait3A_268, %dma_wait3A_269, %dma_wait3A_270] : memref<3x80x128xf32, #tpu.memory_space<vmem>> -> memref<1x80x128xf32, #tpu.memory_space<vmem>>
      %dma_wait3A_272 = tpu.memref_squeeze %dma_wait3A_271 : memref<1x80x128xf32, #tpu.memory_space<vmem>> -> memref<80x128xf32, #tpu.memory_space<vmem>>
      %dma_wait3A_273 = arith.constant 0 : i32
      %dma_wait3A_274 = tpu.memref_slice %arg2[%add3A_267, %dma_wait3A_273] : memref<320000x128xf32, #tpu.memory_space<hbm>> -> memref<80x128xf32, #tpu.memory_space<hbm>>
      %dma_wait3A_275 = arith.constant 0 : i32
      %dma_wait3A_276 = arith.constant 0 : i32
      %dma_wait3A_277 = tpu.memref_slice %arg9[%dma_wait3A_268, %dma_wait3A_275, %dma_wait3A_276] : memref<3x80x128xf32, #tpu.memory_space<vmem>> -> memref<1x80x128xf32, #tpu.memory_space<vmem>>
      %dma_wait3A_278 = tpu.memref_squeeze %dma_wait3A_277 : memref<1x80x128xf32, #tpu.memory_space<vmem>> -> memref<80x128xf32, #tpu.memory_space<vmem>>
      %dma_wait3A_279 = arith.constant 0 : i32
      %dma_wait3A_280 = tpu.memref_slice %arg2[%add3A_267, %dma_wait3A_279] : memref<320000x128xf32, #tpu.memory_space<hbm>> -> memref<80x128xf32, #tpu.memory_space<hbm>>
      tpu.wait_dma2 semaphore(%arg13 : memref<!tpu.dma_semaphore, #tpu.memory_space<semaphore_mem>>) src(%dma_wait3A_280 : memref<80x128xf32, #tpu.memory_space<hbm>>) dst(%dma_wait3A_278 : memref<80x128xf32, #tpu.memory_space<vmem>>)
      %run_scoped3A_281 = arith.constant 1 : i32
      "tpu.region"() ({
        %run_scoped3A_319 = tpu.sem_alloc : memref<!tpu.dma_semaphore, #tpu.memory_space<semaphore_mem>>
        %dma_start3A_320 = arith.constant 0 : i32
        %dma_start3A_321 = arith.constant 0 : i32
        %dma_start3A_322 = tpu.memref_slice %arg9[%run_scoped3A_281, %dma_start3A_320, %dma_start3A_321] : memref<3x80x128xf32, #tpu.memory_space<vmem>> -> memref<1x80x128xf32, #tpu.memory_space<vmem>>
        %dma_start3A_323 = tpu.memref_squeeze %dma_start3A_322 : memref<1x80x128xf32, #tpu.memory_space<vmem>> -> memref<80x128xf32, #tpu.memory_space<vmem>>
        %dma_start3A_324 = arith.constant 0 : i32
        %dma_start3A_325 = tpu.memref_slice %arg8[%add3A_262, %dma_start3A_324] : memref<125x80xi32, #tpu.memory_space<vmem>> -> memref<1x80xi32, #tpu.memory_space<vmem>>
        %dma_start3A_326 = tpu.memref_squeeze %dma_start3A_325 : memref<1x80xi32, #tpu.memory_space<vmem>> -> memref<80xi32, #tpu.memory_space<vmem>>
        %dma_start3A_327 = arith.constant 0 : i32
        %dma_start3A_328 = arith.constant 0 : i32
        %dma_start3A_329 = tpu.memref_slice %arg7[%dma_start3A_327, %dma_start3A_328] : memref<10000x128xf32, #tpu.memory_space<vmem_shared>> -> memref<10000x128xf32, #tpu.memory_space<vmem_shared>>
        tpu.enqueue_indirect_dma source(%dma_start3A_323 : memref<80x128xf32, #tpu.memory_space<vmem>>) target(%dma_start3A_329 : memref<10000x128xf32, #tpu.memory_space<vmem_shared>>) offsets(%dma_start3A_326 : memref<80xi32, #tpu.memory_space<vmem>>) semaphore(%run_scoped3A_319 : memref<!tpu.dma_semaphore, #tpu.memory_space<semaphore_mem>>) {add = true}
        %dma_wait3A_330 = arith.constant 0 : i32
        %dma_wait3A_331 = arith.constant 0 : i32
        %dma_wait3A_332 = tpu.memref_slice %arg9[%run_scoped3A_281, %dma_wait3A_330, %dma_wait3A_331] : memref<3x80x128xf32, #tpu.memory_space<vmem>> -> memref<1x80x128xf32, #tpu.memory_space<vmem>>
        %dma_wait3A_333 = tpu.memref_squeeze %dma_wait3A_332 : memref<1x80x128xf32, #tpu.memory_space<vmem>> -> memref<80x128xf32, #tpu.memory_space<vmem>>
        %dma_wait3A_334 = arith.constant 0 : i32
        %dma_wait3A_335 = tpu.memref_slice %arg8[%add3A_262, %dma_wait3A_334] : memref<125x80xi32, #tpu.memory_space<vmem>> -> memref<1x80xi32, #tpu.memory_space<vmem>>
        %dma_wait3A_336 = tpu.memref_squeeze %dma_wait3A_335 : memref<1x80xi32, #tpu.memory_space<vmem>> -> memref<80xi32, #tpu.memory_space<vmem>>
        %dma_wait3A_337 = arith.constant 0 : i32
        %dma_wait3A_338 = arith.constant 0 : i32
        %dma_wait3A_339 = tpu.memref_slice %arg7[%dma_wait3A_337, %dma_wait3A_338] : memref<10000x128xf32, #tpu.memory_space<vmem_shared>> -> memref<10000x128xf32, #tpu.memory_space<vmem_shared>>
        tpu.wait_indirect_dma semaphore(%run_scoped3A_319 : memref<!tpu.dma_semaphore, #tpu.memory_space<semaphore_mem>>) src(%dma_wait3A_333 : memref<80x128xf32, #tpu.memory_space<vmem>>) dst(%dma_wait3A_339 : memref<10000x128xf32, #tpu.memory_space<vmem_shared>>)
        tpu.yield
      }) : () -> ()
      %add3A_282 = arith.constant 3 : i32
      %add3A_283 = arith.addi %add3A_262, %add3A_282 : i32
      %lt3A_284 = arith.constant 125 : i32
      %lt3A_285 = arith.cmpi slt, %add3A_283, %lt3A_284 : i32
      %convert_element_type3A_286 = arith.extui %lt3A_285 : i1 to i32
      %cond3A_287 = arith.constant 0 : i32
      %cond3A_288 = arith.cmpi ne, %convert_element_type3A_286, %cond3A_287 : i32
      scf.if %cond3A_288 {
        %mul3A_319 = arith.constant 10000 : i32
        %mul3A_320 = arith.muli %add3A, %mul3A_319 : i32
        %mul3A_321 = arith.constant 80 : i32
        %mul3A_322 = arith.muli %add3A_283, %mul3A_321 : i32
        %add3A_323 = arith.addi %mul3A_320, %mul3A_322 : i32
        %dma_start3A_324 = arith.constant 1 : i32
        %dma_start3A_325 = arith.constant 0 : i32
        %dma_start3A_326 = arith.constant 0 : i32
        %dma_start3A_327 = tpu.memref_slice %arg9[%dma_start3A_324, %dma_start3A_325, %dma_start3A_326] : memref<3x80x128xf32, #tpu.memory_space<vmem>> -> memref<1x80x128xf32, #tpu.memory_space<vmem>>
        %dma_start3A_328 = tpu.memref_squeeze %dma_start3A_327 : memref<1x80x128xf32, #tpu.memory_space<vmem>> -> memref<80x128xf32, #tpu.memory_space<vmem>>
        %dma_start3A_329 = arith.constant 0 : i32
        %dma_start3A_330 = tpu.memref_slice %arg2[%add3A_323, %dma_start3A_329] : memref<320000x128xf32, #tpu.memory_space<hbm>> -> memref<80x128xf32, #tpu.memory_space<hbm>>
        %dma_start3A_331 = arith.constant 0 : i32
        %dma_start3A_332 = arith.constant 0 : i32
        %dma_start3A_333 = tpu.memref_slice %arg9[%dma_start3A_324, %dma_start3A_331, %dma_start3A_332] : memref<3x80x128xf32, #tpu.memory_space<vmem>> -> memref<1x80x128xf32, #tpu.memory_space<vmem>>
        %dma_start3A_334 = tpu.memref_squeeze %dma_start3A_333 : memref<1x80x128xf32, #tpu.memory_space<vmem>> -> memref<80x128xf32, #tpu.memory_space<vmem>>
        %dma_start3A_335 = arith.constant 0 : i32
        %dma_start3A_336 = tpu.memref_slice %arg2[%add3A_323, %dma_start3A_335] : memref<320000x128xf32, #tpu.memory_space<hbm>> -> memref<80x128xf32, #tpu.memory_space<hbm>>
        tpu.enqueue_dma source(%dma_start3A_336 : memref<80x128xf32, #tpu.memory_space<hbm>>) target(%dma_start3A_334 : memref<80x128xf32, #tpu.memory_space<vmem>>) target_semaphore(%arg13 : memref<!tpu.dma_semaphore, #tpu.memory_space<semaphore_mem>>)
      } else {
      }
      %mul3A_289 = arith.constant 3 : i32
      %mul3A_290 = arith.muli %scan3A_228, %mul3A_289 : i32
      %add3A_291 = arith.constant 2 : i32
      %add3A_292 = arith.addi %mul3A_290, %add3A_291 : i32
      %mul3A_293 = arith.constant 10000 : i32
      %mul3A_294 = arith.muli %add3A, %mul3A_293 : i32
      %mul3A_295 = arith.constant 80 : i32
      %mul3A_296 = arith.muli %add3A_292, %mul3A_295 : i32
      %add3A_297 = arith.addi %mul3A_294, %mul3A_296 : i32
      %dma_wait3A_298 = arith.constant 2 : i32
      %dma_wait3A_299 = arith.constant 0 : i32
      %dma_wait3A_300 = arith.constant 0 : i32
      %dma_wait3A_301 = tpu.memref_slice %arg9[%dma_wait3A_298, %dma_wait3A_299, %dma_wait3A_300] : memref<3x80x128xf32, #tpu.memory_space<vmem>> -> memref<1x80x128xf32, #tpu.memory_space<vmem>>
      %dma_wait3A_302 = tpu.memref_squeeze %dma_wait3A_301 : memref<1x80x128xf32, #tpu.memory_space<vmem>> -> memref<80x128xf32, #tpu.memory_space<vmem>>
      %dma_wait3A_303 = arith.constant 0 : i32
      %dma_wait3A_304 = tpu.memref_slice %arg2[%add3A_297, %dma_wait3A_303] : memref<320000x128xf32, #tpu.memory_space<hbm>> -> memref<80x128xf32, #tpu.memory_space<hbm>>
      %dma_wait3A_305 = arith.constant 0 : i32
      %dma_wait3A_306 = arith.constant 0 : i32
      %dma_wait3A_307 = tpu.memref_slice %arg9[%dma_wait3A_298, %dma_wait3A_305, %dma_wait3A_306] : memref<3x80x128xf32, #tpu.memory_space<vmem>> -> memref<1x80x128xf32, #tpu.memory_space<vmem>>
      %dma_wait3A_308 = tpu.memref_squeeze %dma_wait3A_307 : memref<1x80x128xf32, #tpu.memory_space<vmem>> -> memref<80x128xf32, #tpu.memory_space<vmem>>
      %dma_wait3A_309 = arith.constant 0 : i32
      %dma_wait3A_310 = tpu.memref_slice %arg2[%add3A_297, %dma_wait3A_309] : memref<320000x128xf32, #tpu.memory_space<hbm>> -> memref<80x128xf32, #tpu.memory_space<hbm>>
      tpu.wait_dma2 semaphore(%arg14 : memref<!tpu.dma_semaphore, #tpu.memory_space<semaphore_mem>>) src(%dma_wait3A_310 : memref<80x128xf32, #tpu.memory_space<hbm>>) dst(%dma_wait3A_308 : memref<80x128xf32, #tpu.memory_space<vmem>>)
      %run_scoped3A_311 = arith.constant 2 : i32
      "tpu.region"() ({
        %run_scoped3A_319 = tpu.sem_alloc : memref<!tpu.dma_semaphore, #tpu.memory_space<semaphore_mem>>
        %dma_start3A_320 = arith.constant 0 : i32
        %dma_start3A_321 = arith.constant 0 : i32
        %dma_start3A_322 = tpu.memref_slice %arg9[%run_scoped3A_311, %dma_start3A_320, %dma_start3A_321] : memref<3x80x128xf32, #tpu.memory_space<vmem>> -> memref<1x80x128xf32, #tpu.memory_space<vmem>>
        %dma_start3A_323 = tpu.memref_squeeze %dma_start3A_322 : memref<1x80x128xf32, #tpu.memory_space<vmem>> -> memref<80x128xf32, #tpu.memory_space<vmem>>
        %dma_start3A_324 = arith.constant 0 : i32
        %dma_start3A_325 = tpu.memref_slice %arg8[%add3A_292, %dma_start3A_324] : memref<125x80xi32, #tpu.memory_space<vmem>> -> memref<1x80xi32, #tpu.memory_space<vmem>>
        %dma_start3A_326 = tpu.memref_squeeze %dma_start3A_325 : memref<1x80xi32, #tpu.memory_space<vmem>> -> memref<80xi32, #tpu.memory_space<vmem>>
        %dma_start3A_327 = arith.constant 0 : i32
        %dma_start3A_328 = arith.constant 0 : i32
        %dma_start3A_329 = tpu.memref_slice %arg7[%dma_start3A_327, %dma_start3A_328] : memref<10000x128xf32, #tpu.memory_space<vmem_shared>> -> memref<10000x128xf32, #tpu.memory_space<vmem_shared>>
        tpu.enqueue_indirect_dma source(%dma_start3A_323 : memref<80x128xf32, #tpu.memory_space<vmem>>) target(%dma_start3A_329 : memref<10000x128xf32, #tpu.memory_space<vmem_shared>>) offsets(%dma_start3A_326 : memref<80xi32, #tpu.memory_space<vmem>>) semaphore(%run_scoped3A_319 : memref<!tpu.dma_semaphore, #tpu.memory_space<semaphore_mem>>) {add = true}
        %dma_wait3A_330 = arith.constant 0 : i32
        %dma_wait3A_331 = arith.constant 0 : i32
        %dma_wait3A_332 = tpu.memref_slice %arg9[%run_scoped3A_311, %dma_wait3A_330, %dma_wait3A_331] : memref<3x80x128xf32, #tpu.memory_space<vmem>> -> memref<1x80x128xf32, #tpu.memory_space<vmem>>
        %dma_wait3A_333 = tpu.memref_squeeze %dma_wait3A_332 : memref<1x80x128xf32, #tpu.memory_space<vmem>> -> memref<80x128xf32, #tpu.memory_space<vmem>>
        %dma_wait3A_334 = arith.constant 0 : i32
        %dma_wait3A_335 = tpu.memref_slice %arg8[%add3A_292, %dma_wait3A_334] : memref<125x80xi32, #tpu.memory_space<vmem>> -> memref<1x80xi32, #tpu.memory_space<vmem>>
        %dma_wait3A_336 = tpu.memref_squeeze %dma_wait3A_335 : memref<1x80xi32, #tpu.memory_space<vmem>> -> memref<80xi32, #tpu.memory_space<vmem>>
        %dma_wait3A_337 = arith.constant 0 : i32
        %dma_wait3A_338 = arith.constant 0 : i32
        %dma_wait3A_339 = tpu.memref_slice %arg7[%dma_wait3A_337, %dma_wait3A_338] : memref<10000x128xf32, #tpu.memory_space<vmem_shared>> -> memref<10000x128xf32, #tpu.memory_space<vmem_shared>>
        tpu.wait_indirect_dma semaphore(%run_scoped3A_319 : memref<!tpu.dma_semaphore, #tpu.memory_space<semaphore_mem>>) src(%dma_wait3A_333 : memref<80x128xf32, #tpu.memory_space<vmem>>) dst(%dma_wait3A_339 : memref<10000x128xf32, #tpu.memory_space<vmem_shared>>)
        tpu.yield
      }) : () -> ()
      %add3A_312 = arith.constant 3 : i32
      %add3A_313 = arith.addi %add3A_292, %add3A_312 : i32
      %lt3A_314 = arith.constant 125 : i32
      %lt3A_315 = arith.cmpi slt, %add3A_313, %lt3A_314 : i32
      %convert_element_type3A_316 = arith.extui %lt3A_315 : i1 to i32
      %cond3A_317 = arith.constant 0 : i32
      %cond3A_318 = arith.cmpi ne, %convert_element_type3A_316, %cond3A_317 : i32
      scf.if %cond3A_318 {
        %mul3A_319 = arith.constant 10000 : i32
        %mul3A_320 = arith.muli %add3A, %mul3A_319 : i32
        %mul3A_321 = arith.constant 80 : i32
        %mul3A_322 = arith.muli %add3A_313, %mul3A_321 : i32
        %add3A_323 = arith.addi %mul3A_320, %mul3A_322 : i32
        %dma_start3A_324 = arith.constant 2 : i32
        %dma_start3A_325 = arith.constant 0 : i32
        %dma_start3A_326 = arith.constant 0 : i32
        %dma_start3A_327 = tpu.memref_slice %arg9[%dma_start3A_324, %dma_start3A_325, %dma_start3A_326] : memref<3x80x128xf32, #tpu.memory_space<vmem>> -> memref<1x80x128xf32, #tpu.memory_space<vmem>>
        %dma_start3A_328 = tpu.memref_squeeze %dma_start3A_327 : memref<1x80x128xf32, #tpu.memory_space<vmem>> -> memref<80x128xf32, #tpu.memory_space<vmem>>
        %dma_start3A_329 = arith.constant 0 : i32
        %dma_start3A_330 = tpu.memref_slice %arg2[%add3A_323, %dma_start3A_329] : memref<320000x128xf32, #tpu.memory_space<hbm>> -> memref<80x128xf32, #tpu.memory_space<hbm>>
        %dma_start3A_331 = arith.constant 0 : i32
        %dma_start3A_332 = arith.constant 0 : i32
        %dma_start3A_333 = tpu.memref_slice %arg9[%dma_start3A_324, %dma_start3A_331, %dma_start3A_332] : memref<3x80x128xf32, #tpu.memory_space<vmem>> -> memref<1x80x128xf32, #tpu.memory_space<vmem>>
        %dma_start3A_334 = tpu.memref_squeeze %dma_start3A_333 : memref<1x80x128xf32, #tpu.memory_space<vmem>> -> memref<80x128xf32, #tpu.memory_space<vmem>>
        %dma_start3A_335 = arith.constant 0 : i32
        %dma_start3A_336 = tpu.memref_slice %arg2[%add3A_323, %dma_start3A_335] : memref<320000x128xf32, #tpu.memory_space<hbm>> -> memref<80x128xf32, #tpu.memory_space<hbm>>
        tpu.enqueue_dma source(%dma_start3A_336 : memref<80x128xf32, #tpu.memory_space<hbm>>) target(%dma_start3A_334 : memref<80x128xf32, #tpu.memory_space<vmem>>) target_semaphore(%arg14 : memref<!tpu.dma_semaphore, #tpu.memory_space<semaphore_mem>>)
      } else {
      }
    }
    %scan3A_87 = arith.constant 41 : i32
    %mul3A_88 = arith.constant 10000 : i32
    %mul3A_89 = arith.muli %add3A, %mul3A_88 : i32
    %add3A_90 = arith.constant 9840 : i32
    %add3A_91 = arith.addi %mul3A_89, %add3A_90 : i32
    %dma_wait3A_92 = arith.constant 0 : i32
    %dma_wait3A_93 = arith.constant 0 : i32
    %dma_wait3A_94 = arith.constant 0 : i32
    %dma_wait3A_95 = tpu.memref_slice %arg9[%dma_wait3A_92, %dma_wait3A_93, %dma_wait3A_94] : memref<3x80x128xf32, #tpu.memory_space<vmem>> -> memref<1x80x128xf32, #tpu.memory_space<vmem>>
    %dma_wait3A_96 = tpu.memref_squeeze %dma_wait3A_95 : memref<1x80x128xf32, #tpu.memory_space<vmem>> -> memref<80x128xf32, #tpu.memory_space<vmem>>
    %dma_wait3A_97 = arith.constant 0 : i32
    %dma_wait3A_98 = tpu.memref_slice %arg2[%add3A_91, %dma_wait3A_97] : memref<320000x128xf32, #tpu.memory_space<hbm>> -> memref<80x128xf32, #tpu.memory_space<hbm>>
    %dma_wait3A_99 = arith.constant 0 : i32
    %dma_wait3A_100 = arith.constant 0 : i32
    %dma_wait3A_101 = tpu.memref_slice %arg9[%dma_wait3A_92, %dma_wait3A_99, %dma_wait3A_100] : memref<3x80x128xf32, #tpu.memory_space<vmem>> -> memref<1x80x128xf32, #tpu.memory_space<vmem>>
    %dma_wait3A_102 = tpu.memref_squeeze %dma_wait3A_101 : memref<1x80x128xf32, #tpu.memory_space<vmem>> -> memref<80x128xf32, #tpu.memory_space<vmem>>
    %dma_wait3A_103 = arith.constant 0 : i32
    %dma_wait3A_104 = tpu.memref_slice %arg2[%add3A_91, %dma_wait3A_103] : memref<320000x128xf32, #tpu.memory_space<hbm>> -> memref<80x128xf32, #tpu.memory_space<hbm>>
    tpu.wait_dma2 semaphore(%arg12 : memref<!tpu.dma_semaphore, #tpu.memory_space<semaphore_mem>>) src(%dma_wait3A_104 : memref<80x128xf32, #tpu.memory_space<hbm>>) dst(%dma_wait3A_102 : memref<80x128xf32, #tpu.memory_space<vmem>>)
    %run_scoped3A = arith.constant 0 : i32
    %run_scoped3A_105 = arith.constant 123 : i32
    "tpu.region"() ({
      %run_scoped3A_228 = tpu.sem_alloc : memref<!tpu.dma_semaphore, #tpu.memory_space<semaphore_mem>>
      %dma_start3A_229 = arith.constant 0 : i32
      %dma_start3A_230 = arith.constant 0 : i32
      %dma_start3A_231 = tpu.memref_slice %arg9[%run_scoped3A, %dma_start3A_229, %dma_start3A_230] : memref<3x80x128xf32, #tpu.memory_space<vmem>> -> memref<1x80x128xf32, #tpu.memory_space<vmem>>
      %dma_start3A_232 = tpu.memref_squeeze %dma_start3A_231 : memref<1x80x128xf32, #tpu.memory_space<vmem>> -> memref<80x128xf32, #tpu.memory_space<vmem>>
      %dma_start3A_233 = arith.constant 0 : i32
      %dma_start3A_234 = tpu.memref_slice %arg8[%run_scoped3A_105, %dma_start3A_233] : memref<125x80xi32, #tpu.memory_space<vmem>> -> memref<1x80xi32, #tpu.memory_space<vmem>>
      %dma_start3A_235 = tpu.memref_squeeze %dma_start3A_234 : memref<1x80xi32, #tpu.memory_space<vmem>> -> memref<80xi32, #tpu.memory_space<vmem>>
      %dma_start3A_236 = arith.constant 0 : i32
      %dma_start3A_237 = arith.constant 0 : i32
      %dma_start3A_238 = tpu.memref_slice %arg7[%dma_start3A_236, %dma_start3A_237] : memref<10000x128xf32, #tpu.memory_space<vmem_shared>> -> memref<10000x128xf32, #tpu.memory_space<vmem_shared>>
      tpu.enqueue_indirect_dma source(%dma_start3A_232 : memref<80x128xf32, #tpu.memory_space<vmem>>) target(%dma_start3A_238 : memref<10000x128xf32, #tpu.memory_space<vmem_shared>>) offsets(%dma_start3A_235 : memref<80xi32, #tpu.memory_space<vmem>>) semaphore(%run_scoped3A_228 : memref<!tpu.dma_semaphore, #tpu.memory_space<semaphore_mem>>) {add = true}
      %dma_wait3A_239 = arith.constant 0 : i32
      %dma_wait3A_240 = arith.constant 0 : i32
      %dma_wait3A_241 = tpu.memref_slice %arg9[%run_scoped3A, %dma_wait3A_239, %dma_wait3A_240] : memref<3x80x128xf32, #tpu.memory_space<vmem>> -> memref<1x80x128xf32, #tpu.memory_space<vmem>>
      %dma_wait3A_242 = tpu.memref_squeeze %dma_wait3A_241 : memref<1x80x128xf32, #tpu.memory_space<vmem>> -> memref<80x128xf32, #tpu.memory_space<vmem>>
      %dma_wait3A_243 = arith.constant 0 : i32
      %dma_wait3A_244 = tpu.memref_slice %arg8[%run_scoped3A_105, %dma_wait3A_243] : memref<125x80xi32, #tpu.memory_space<vmem>> -> memref<1x80xi32, #tpu.memory_space<vmem>>
      %dma_wait3A_245 = tpu.memref_squeeze %dma_wait3A_244 : memref<1x80xi32, #tpu.memory_space<vmem>> -> memref<80xi32, #tpu.memory_space<vmem>>
      %dma_wait3A_246 = arith.constant 0 : i32
      %dma_wait3A_247 = arith.constant 0 : i32
      %dma_wait3A_248 = tpu.memref_slice %arg7[%dma_wait3A_246, %dma_wait3A_247] : memref<10000x128xf32, #tpu.memory_space<vmem_shared>> -> memref<10000x128xf32, #tpu.memory_space<vmem_shared>>
      tpu.wait_indirect_dma semaphore(%run_scoped3A_228 : memref<!tpu.dma_semaphore, #tpu.memory_space<semaphore_mem>>) src(%dma_wait3A_242 : memref<80x128xf32, #tpu.memory_space<vmem>>) dst(%dma_wait3A_248 : memref<10000x128xf32, #tpu.memory_space<vmem_shared>>)
      tpu.yield
    }) : () -> ()
    %mul3A_106 = arith.constant 10000 : i32
    %mul3A_107 = arith.muli %add3A, %mul3A_106 : i32
    %add3A_108 = arith.constant 9920 : i32
    %add3A_109 = arith.addi %mul3A_107, %add3A_108 : i32
    %dma_wait3A_110 = arith.constant 1 : i32
    %dma_wait3A_111 = arith.constant 0 : i32
    %dma_wait3A_112 = arith.constant 0 : i32
    %dma_wait3A_113 = tpu.memref_slice %arg9[%dma_wait3A_110, %dma_wait3A_111, %dma_wait3A_112] : memref<3x80x128xf32, #tpu.memory_space<vmem>> -> memref<1x80x128xf32, #tpu.memory_space<vmem>>
    %dma_wait3A_114 = tpu.memref_squeeze %dma_wait3A_113 : memref<1x80x128xf32, #tpu.memory_space<vmem>> -> memref<80x128xf32, #tpu.memory_space<vmem>>
    %dma_wait3A_115 = arith.constant 0 : i32
    %dma_wait3A_116 = tpu.memref_slice %arg2[%add3A_109, %dma_wait3A_115] : memref<320000x128xf32, #tpu.memory_space<hbm>> -> memref<80x128xf32, #tpu.memory_space<hbm>>
    %dma_wait3A_117 = arith.constant 0 : i32
    %dma_wait3A_118 = arith.constant 0 : i32
    %dma_wait3A_119 = tpu.memref_slice %arg9[%dma_wait3A_110, %dma_wait3A_117, %dma_wait3A_118] : memref<3x80x128xf32, #tpu.memory_space<vmem>> -> memref<1x80x128xf32, #tpu.memory_space<vmem>>
    %dma_wait3A_120 = tpu.memref_squeeze %dma_wait3A_119 : memref<1x80x128xf32, #tpu.memory_space<vmem>> -> memref<80x128xf32, #tpu.memory_space<vmem>>
    %dma_wait3A_121 = arith.constant 0 : i32
    %dma_wait3A_122 = tpu.memref_slice %arg2[%add3A_109, %dma_wait3A_121] : memref<320000x128xf32, #tpu.memory_space<hbm>> -> memref<80x128xf32, #tpu.memory_space<hbm>>
    tpu.wait_dma2 semaphore(%arg13 : memref<!tpu.dma_semaphore, #tpu.memory_space<semaphore_mem>>) src(%dma_wait3A_122 : memref<80x128xf32, #tpu.memory_space<hbm>>) dst(%dma_wait3A_120 : memref<80x128xf32, #tpu.memory_space<vmem>>)
    %run_scoped3A_123 = arith.constant 1 : i32
    %run_scoped3A_124 = arith.constant 124 : i32
    "tpu.region"() ({
      %run_scoped3A_228 = tpu.sem_alloc : memref<!tpu.dma_semaphore, #tpu.memory_space<semaphore_mem>>
      %dma_start3A_229 = arith.constant 0 : i32
      %dma_start3A_230 = arith.constant 0 : i32
      %dma_start3A_231 = tpu.memref_slice %arg9[%run_scoped3A_123, %dma_start3A_229, %dma_start3A_230] : memref<3x80x128xf32, #tpu.memory_space<vmem>> -> memref<1x80x128xf32, #tpu.memory_space<vmem>>
      %dma_start3A_232 = tpu.memref_squeeze %dma_start3A_231 : memref<1x80x128xf32, #tpu.memory_space<vmem>> -> memref<80x128xf32, #tpu.memory_space<vmem>>
      %dma_start3A_233 = arith.constant 0 : i32
      %dma_start3A_234 = tpu.memref_slice %arg8[%run_scoped3A_124, %dma_start3A_233] : memref<125x80xi32, #tpu.memory_space<vmem>> -> memref<1x80xi32, #tpu.memory_space<vmem>>
      %dma_start3A_235 = tpu.memref_squeeze %dma_start3A_234 : memref<1x80xi32, #tpu.memory_space<vmem>> -> memref<80xi32, #tpu.memory_space<vmem>>
      %dma_start3A_236 = arith.constant 0 : i32
      %dma_start3A_237 = arith.constant 0 : i32
      %dma_start3A_238 = tpu.memref_slice %arg7[%dma_start3A_236, %dma_start3A_237] : memref<10000x128xf32, #tpu.memory_space<vmem_shared>> -> memref<10000x128xf32, #tpu.memory_space<vmem_shared>>
      tpu.enqueue_indirect_dma source(%dma_start3A_232 : memref<80x128xf32, #tpu.memory_space<vmem>>) target(%dma_start3A_238 : memref<10000x128xf32, #tpu.memory_space<vmem_shared>>) offsets(%dma_start3A_235 : memref<80xi32, #tpu.memory_space<vmem>>) semaphore(%run_scoped3A_228 : memref<!tpu.dma_semaphore, #tpu.memory_space<semaphore_mem>>) {add = true}
      %dma_wait3A_239 = arith.constant 0 : i32
      %dma_wait3A_240 = arith.constant 0 : i32
      %dma_wait3A_241 = tpu.memref_slice %arg9[%run_scoped3A_123, %dma_wait3A_239, %dma_wait3A_240] : memref<3x80x128xf32, #tpu.memory_space<vmem>> -> memref<1x80x128xf32, #tpu.memory_space<vmem>>
      %dma_wait3A_242 = tpu.memref_squeeze %dma_wait3A_241 : memref<1x80x128xf32, #tpu.memory_space<vmem>> -> memref<80x128xf32, #tpu.memory_space<vmem>>
      %dma_wait3A_243 = arith.constant 0 : i32
      %dma_wait3A_244 = tpu.memref_slice %arg8[%run_scoped3A_124, %dma_wait3A_243] : memref<125x80xi32, #tpu.memory_space<vmem>> -> memref<1x80xi32, #tpu.memory_space<vmem>>
      %dma_wait3A_245 = tpu.memref_squeeze %dma_wait3A_244 : memref<1x80xi32, #tpu.memory_space<vmem>> -> memref<80xi32, #tpu.memory_space<vmem>>
      %dma_wait3A_246 = arith.constant 0 : i32
      %dma_wait3A_247 = arith.constant 0 : i32
      %dma_wait3A_248 = tpu.memref_slice %arg7[%dma_wait3A_246, %dma_wait3A_247] : memref<10000x128xf32, #tpu.memory_space<vmem_shared>> -> memref<10000x128xf32, #tpu.memory_space<vmem_shared>>
      tpu.wait_indirect_dma semaphore(%run_scoped3A_228 : memref<!tpu.dma_semaphore, #tpu.memory_space<semaphore_mem>>) src(%dma_wait3A_242 : memref<80x128xf32, #tpu.memory_space<vmem>>) dst(%dma_wait3A_248 : memref<10000x128xf32, #tpu.memory_space<vmem_shared>>)
      tpu.yield
    }) : () -> ()
    "tpu.region"() ({
      %run_scoped3A_228 = tpu.sem_alloc : memref<!tpu.dma_semaphore, #tpu.memory_space<semaphore_mem>>
      %dma_start3A_229 = arith.constant 0 : i32
      %dma_start3A_230 = arith.constant 0 : i32
      %dma_start3A_231 = tpu.memref_slice %arg5[%add3A, %dma_start3A_229, %dma_start3A_230] : memref<32x125x80xi32, #tpu.memory_space<hbm>> -> memref<1x125x80xi32, #tpu.memory_space<hbm>>
      %dma_start3A_232 = tpu.memref_squeeze %dma_start3A_231 : memref<1x125x80xi32, #tpu.memory_space<hbm>> -> memref<125x80xi32, #tpu.memory_space<hbm>>
      %dma_start3A_233 = arith.constant 0 : i32
      %dma_start3A_234 = arith.constant 0 : i32
      %dma_start3A_235 = tpu.memref_slice %arg5[%add3A, %dma_start3A_233, %dma_start3A_234] : memref<32x125x80xi32, #tpu.memory_space<hbm>> -> memref<1x125x80xi32, #tpu.memory_space<hbm>>
      %dma_start3A_236 = tpu.memref_squeeze %dma_start3A_235 : memref<1x125x80xi32, #tpu.memory_space<hbm>> -> memref<125x80xi32, #tpu.memory_space<hbm>>
      tpu.enqueue_dma source(%dma_start3A_236 : memref<125x80xi32, #tpu.memory_space<hbm>>) target(%arg8 : memref<125x80xi32, #tpu.memory_space<vmem>>) target_semaphore(%run_scoped3A_228 : memref<!tpu.dma_semaphore, #tpu.memory_space<semaphore_mem>>)
      %dma_wait3A_237 = arith.constant 0 : i32
      %dma_wait3A_238 = arith.constant 0 : i32
      %dma_wait3A_239 = tpu.memref_slice %arg5[%add3A, %dma_wait3A_237, %dma_wait3A_238] : memref<32x125x80xi32, #tpu.memory_space<hbm>> -> memref<1x125x80xi32, #tpu.memory_space<hbm>>
      %dma_wait3A_240 = tpu.memref_squeeze %dma_wait3A_239 : memref<1x125x80xi32, #tpu.memory_space<hbm>> -> memref<125x80xi32, #tpu.memory_space<hbm>>
      %dma_wait3A_241 = arith.constant 0 : i32
      %dma_wait3A_242 = arith.constant 0 : i32
      %dma_wait3A_243 = tpu.memref_slice %arg5[%add3A, %dma_wait3A_241, %dma_wait3A_242] : memref<32x125x80xi32, #tpu.memory_space<hbm>> -> memref<1x125x80xi32, #tpu.memory_space<hbm>>
      %dma_wait3A_244 = tpu.memref_squeeze %dma_wait3A_243 : memref<1x125x80xi32, #tpu.memory_space<hbm>> -> memref<125x80xi32, #tpu.memory_space<hbm>>
      tpu.wait_dma2 semaphore(%run_scoped3A_228 : memref<!tpu.dma_semaphore, #tpu.memory_space<semaphore_mem>>) src(%dma_wait3A_244 : memref<125x80xi32, #tpu.memory_space<hbm>>) dst(%arg8 : memref<125x80xi32, #tpu.memory_space<vmem>>)
      tpu.yield
    }) : () -> ()
    %mul3A_125 = arith.constant 10000 : i32
    %mul3A_126 = arith.muli %add3A, %mul3A_125 : i32
    %add3A_127 = arith.constant 0 : i32
    %add3A_128 = arith.addi %mul3A_126, %add3A_127 : i32
    %dma_start3A_129 = arith.constant 0 : i32
    %dma_start3A_130 = arith.constant 0 : i32
    %dma_start3A_131 = arith.constant 0 : i32
    %dma_start3A_132 = tpu.memref_slice %arg9[%dma_start3A_129, %dma_start3A_130, %dma_start3A_131] : memref<3x80x128xf32, #tpu.memory_space<vmem>> -> memref<1x80x128xf32, #tpu.memory_space<vmem>>
    %dma_start3A_133 = tpu.memref_squeeze %dma_start3A_132 : memref<1x80x128xf32, #tpu.memory_space<vmem>> -> memref<80x128xf32, #tpu.memory_space<vmem>>
    %dma_start3A_134 = arith.constant 0 : i32
    %dma_start3A_135 = tpu.memref_slice %arg3[%add3A_128, %dma_start3A_134] : memref<320000x128xf32, #tpu.memory_space<hbm>> -> memref<80x128xf32, #tpu.memory_space<hbm>>
    %dma_start3A_136 = arith.constant 0 : i32
    %dma_start3A_137 = arith.constant 0 : i32
    %dma_start3A_138 = tpu.memref_slice %arg9[%dma_start3A_129, %dma_start3A_136, %dma_start3A_137] : memref<3x80x128xf32, #tpu.memory_space<vmem>> -> memref<1x80x128xf32, #tpu.memory_space<vmem>>
    %dma_start3A_139 = tpu.memref_squeeze %dma_start3A_138 : memref<1x80x128xf32, #tpu.memory_space<vmem>> -> memref<80x128xf32, #tpu.memory_space<vmem>>
    %dma_start3A_140 = arith.constant 0 : i32
    %dma_start3A_141 = tpu.memref_slice %arg3[%add3A_128, %dma_start3A_140] : memref<320000x128xf32, #tpu.memory_space<hbm>> -> memref<80x128xf32, #tpu.memory_space<hbm>>
    tpu.enqueue_dma source(%dma_start3A_141 : memref<80x128xf32, #tpu.memory_space<hbm>>) target(%dma_start3A_139 : memref<80x128xf32, #tpu.memory_space<vmem>>) target_semaphore(%arg12 : memref<!tpu.dma_semaphore, #tpu.memory_space<semaphore_mem>>)
    %mul3A_142 = arith.constant 10000 : i32
    %mul3A_143 = arith.muli %add3A, %mul3A_142 : i32
    %add3A_144 = arith.constant 80 : i32
    %add3A_145 = arith.addi %mul3A_143, %add3A_144 : i32
    %dma_start3A_146 = arith.constant 1 : i32
    %dma_start3A_147 = arith.constant 0 : i32
    %dma_start3A_148 = arith.constant 0 : i32
    %dma_start3A_149 = tpu.memref_slice %arg9[%dma_start3A_146, %dma_start3A_147, %dma_start3A_148] : memref<3x80x128xf32, #tpu.memory_space<vmem>> -> memref<1x80x128xf32, #tpu.memory_space<vmem>>
    %dma_start3A_150 = tpu.memref_squeeze %dma_start3A_149 : memref<1x80x128xf32, #tpu.memory_space<vmem>> -> memref<80x128xf32, #tpu.memory_space<vmem>>
    %dma_start3A_151 = arith.constant 0 : i32
    %dma_start3A_152 = tpu.memref_slice %arg3[%add3A_145, %dma_start3A_151] : memref<320000x128xf32, #tpu.memory_space<hbm>> -> memref<80x128xf32, #tpu.memory_space<hbm>>
    %dma_start3A_153 = arith.constant 0 : i32
    %dma_start3A_154 = arith.constant 0 : i32
    %dma_start3A_155 = tpu.memref_slice %arg9[%dma_start3A_146, %dma_start3A_153, %dma_start3A_154] : memref<3x80x128xf32, #tpu.memory_space<vmem>> -> memref<1x80x128xf32, #tpu.memory_space<vmem>>
    %dma_start3A_156 = tpu.memref_squeeze %dma_start3A_155 : memref<1x80x128xf32, #tpu.memory_space<vmem>> -> memref<80x128xf32, #tpu.memory_space<vmem>>
    %dma_start3A_157 = arith.constant 0 : i32
    %dma_start3A_158 = tpu.memref_slice %arg3[%add3A_145, %dma_start3A_157] : memref<320000x128xf32, #tpu.memory_space<hbm>> -> memref<80x128xf32, #tpu.memory_space<hbm>>
    tpu.enqueue_dma source(%dma_start3A_158 : memref<80x128xf32, #tpu.memory_space<hbm>>) target(%dma_start3A_156 : memref<80x128xf32, #tpu.memory_space<vmem>>) target_semaphore(%arg13 : memref<!tpu.dma_semaphore, #tpu.memory_space<semaphore_mem>>)
    %mul3A_159 = arith.constant 10000 : i32
    %mul3A_160 = arith.muli %add3A, %mul3A_159 : i32
    %add3A_161 = arith.constant 160 : i32
    %add3A_162 = arith.addi %mul3A_160, %add3A_161 : i32
    %dma_start3A_163 = arith.constant 2 : i32
    %dma_start3A_164 = arith.constant 0 : i32
    %dma_start3A_165 = arith.constant 0 : i32
    %dma_start3A_166 = tpu.memref_slice %arg9[%dma_start3A_163, %dma_start3A_164, %dma_start3A_165] : memref<3x80x128xf32, #tpu.memory_space<vmem>> -> memref<1x80x128xf32, #tpu.memory_space<vmem>>
    %dma_start3A_167 = tpu.memref_squeeze %dma_start3A_166 : memref<1x80x128xf32, #tpu.memory_space<vmem>> -> memref<80x128xf32, #tpu.memory_space<vmem>>
    %dma_start3A_168 = arith.constant 0 : i32
    %dma_start3A_169 = tpu.memref_slice %arg3[%add3A_162, %dma_start3A_168] : memref<320000x128xf32, #tpu.memory_space<hbm>> -> memref<80x128xf32, #tpu.memory_space<hbm>>
    %dma_start3A_170 = arith.constant 0 : i32
    %dma_start3A_171 = arith.constant 0 : i32
    %dma_start3A_172 = tpu.memref_slice %arg9[%dma_start3A_163, %dma_start3A_170, %dma_start3A_171] : memref<3x80x128xf32, #tpu.memory_space<vmem>> -> memref<1x80x128xf32, #tpu.memory_space<vmem>>
    %dma_start3A_173 = tpu.memref_squeeze %dma_start3A_172 : memref<1x80x128xf32, #tpu.memory_space<vmem>> -> memref<80x128xf32, #tpu.memory_space<vmem>>
    %dma_start3A_174 = arith.constant 0 : i32
    %dma_start3A_175 = tpu.memref_slice %arg3[%add3A_162, %dma_start3A_174] : memref<320000x128xf32, #tpu.memory_space<hbm>> -> memref<80x128xf32, #tpu.memory_space<hbm>>
    tpu.enqueue_dma source(%dma_start3A_175 : memref<80x128xf32, #tpu.memory_space<hbm>>) target(%dma_start3A_173 : memref<80x128xf32, #tpu.memory_space<vmem>>) target_semaphore(%arg14 : memref<!tpu.dma_semaphore, #tpu.memory_space<semaphore_mem>>)
    %scan3A_176 = arith.constant 0 : i32
    %scan3A_177 = arith.constant 0 : i32
    %scan3A_178 = arith.constant 41 : i32
    %scan3A_179 = arith.addi %scan3A_177, %scan3A_178 : i32
    %scan3A_180 = arith.constant 1 : i32
    scf.for %scan3A_228 = %scan3A_177 to %scan3A_179 step %scan3A_180  : i32 {
      %mul3A_229 = arith.constant 3 : i32
      %mul3A_230 = arith.muli %scan3A_228, %mul3A_229 : i32
      %add3A_231 = arith.constant 0 : i32
      %add3A_232 = arith.addi %mul3A_230, %add3A_231 : i32
      %mul3A_233 = arith.constant 10000 : i32
      %mul3A_234 = arith.muli %add3A, %mul3A_233 : i32
      %mul3A_235 = arith.constant 80 : i32
      %mul3A_236 = arith.muli %add3A_232, %mul3A_235 : i32
      %add3A_237 = arith.addi %mul3A_234, %mul3A_236 : i32
      %dma_wait3A_238 = arith.constant 0 : i32
      %dma_wait3A_239 = arith.constant 0 : i32
      %dma_wait3A_240 = arith.constant 0 : i32
      %dma_wait3A_241 = tpu.memref_slice %arg9[%dma_wait3A_238, %dma_wait3A_239, %dma_wait3A_240] : memref<3x80x128xf32, #tpu.memory_space<vmem>> -> memref<1x80x128xf32, #tpu.memory_space<vmem>>
      %dma_wait3A_242 = tpu.memref_squeeze %dma_wait3A_241 : memref<1x80x128xf32, #tpu.memory_space<vmem>> -> memref<80x128xf32, #tpu.memory_space<vmem>>
      %dma_wait3A_243 = arith.constant 0 : i32
      %dma_wait3A_244 = tpu.memref_slice %arg3[%add3A_237, %dma_wait3A_243] : memref<320000x128xf32, #tpu.memory_space<hbm>> -> memref<80x128xf32, #tpu.memory_space<hbm>>
      %dma_wait3A_245 = arith.constant 0 : i32
      %dma_wait3A_246 = arith.constant 0 : i32
      %dma_wait3A_247 = tpu.memref_slice %arg9[%dma_wait3A_238, %dma_wait3A_245, %dma_wait3A_246] : memref<3x80x128xf32, #tpu.memory_space<vmem>> -> memref<1x80x128xf32, #tpu.memory_space<vmem>>
      %dma_wait3A_248 = tpu.memref_squeeze %dma_wait3A_247 : memref<1x80x128xf32, #tpu.memory_space<vmem>> -> memref<80x128xf32, #tpu.memory_space<vmem>>
      %dma_wait3A_249 = arith.constant 0 : i32
      %dma_wait3A_250 = tpu.memref_slice %arg3[%add3A_237, %dma_wait3A_249] : memref<320000x128xf32, #tpu.memory_space<hbm>> -> memref<80x128xf32, #tpu.memory_space<hbm>>
      tpu.wait_dma2 semaphore(%arg12 : memref<!tpu.dma_semaphore, #tpu.memory_space<semaphore_mem>>) src(%dma_wait3A_250 : memref<80x128xf32, #tpu.memory_space<hbm>>) dst(%dma_wait3A_248 : memref<80x128xf32, #tpu.memory_space<vmem>>)
      %run_scoped3A_251 = arith.constant 0 : i32
      "tpu.region"() ({
        %run_scoped3A_319 = tpu.sem_alloc : memref<!tpu.dma_semaphore, #tpu.memory_space<semaphore_mem>>
        %dma_start3A_320 = arith.constant 0 : i32
        %dma_start3A_321 = arith.constant 0 : i32
        %dma_start3A_322 = tpu.memref_slice %arg9[%run_scoped3A_251, %dma_start3A_320, %dma_start3A_321] : memref<3x80x128xf32, #tpu.memory_space<vmem>> -> memref<1x80x128xf32, #tpu.memory_space<vmem>>
        %dma_start3A_323 = tpu.memref_squeeze %dma_start3A_322 : memref<1x80x128xf32, #tpu.memory_space<vmem>> -> memref<80x128xf32, #tpu.memory_space<vmem>>
        %dma_start3A_324 = arith.constant 0 : i32
        %dma_start3A_325 = tpu.memref_slice %arg8[%add3A_232, %dma_start3A_324] : memref<125x80xi32, #tpu.memory_space<vmem>> -> memref<1x80xi32, #tpu.memory_space<vmem>>
        %dma_start3A_326 = tpu.memref_squeeze %dma_start3A_325 : memref<1x80xi32, #tpu.memory_space<vmem>> -> memref<80xi32, #tpu.memory_space<vmem>>
        %dma_start3A_327 = arith.constant 0 : i32
        %dma_start3A_328 = arith.constant 0 : i32
        %dma_start3A_329 = tpu.memref_slice %arg7[%dma_start3A_327, %dma_start3A_328] : memref<10000x128xf32, #tpu.memory_space<vmem_shared>> -> memref<10000x128xf32, #tpu.memory_space<vmem_shared>>
        tpu.enqueue_indirect_dma source(%dma_start3A_323 : memref<80x128xf32, #tpu.memory_space<vmem>>) target(%dma_start3A_329 : memref<10000x128xf32, #tpu.memory_space<vmem_shared>>) offsets(%dma_start3A_326 : memref<80xi32, #tpu.memory_space<vmem>>) semaphore(%run_scoped3A_319 : memref<!tpu.dma_semaphore, #tpu.memory_space<semaphore_mem>>) {add = true}
        %dma_wait3A_330 = arith.constant 0 : i32
        %dma_wait3A_331 = arith.constant 0 : i32
        %dma_wait3A_332 = tpu.memref_slice %arg9[%run_scoped3A_251, %dma_wait3A_330, %dma_wait3A_331] : memref<3x80x128xf32, #tpu.memory_space<vmem>> -> memref<1x80x128xf32, #tpu.memory_space<vmem>>
        %dma_wait3A_333 = tpu.memref_squeeze %dma_wait3A_332 : memref<1x80x128xf32, #tpu.memory_space<vmem>> -> memref<80x128xf32, #tpu.memory_space<vmem>>
        %dma_wait3A_334 = arith.constant 0 : i32
        %dma_wait3A_335 = tpu.memref_slice %arg8[%add3A_232, %dma_wait3A_334] : memref<125x80xi32, #tpu.memory_space<vmem>> -> memref<1x80xi32, #tpu.memory_space<vmem>>
        %dma_wait3A_336 = tpu.memref_squeeze %dma_wait3A_335 : memref<1x80xi32, #tpu.memory_space<vmem>> -> memref<80xi32, #tpu.memory_space<vmem>>
        %dma_wait3A_337 = arith.constant 0 : i32
        %dma_wait3A_338 = arith.constant 0 : i32
        %dma_wait3A_339 = tpu.memref_slice %arg7[%dma_wait3A_337, %dma_wait3A_338] : memref<10000x128xf32, #tpu.memory_space<vmem_shared>> -> memref<10000x128xf32, #tpu.memory_space<vmem_shared>>
        tpu.wait_indirect_dma semaphore(%run_scoped3A_319 : memref<!tpu.dma_semaphore, #tpu.memory_space<semaphore_mem>>) src(%dma_wait3A_333 : memref<80x128xf32, #tpu.memory_space<vmem>>) dst(%dma_wait3A_339 : memref<10000x128xf32, #tpu.memory_space<vmem_shared>>)
        tpu.yield
      }) : () -> ()
      %add3A_252 = arith.constant 3 : i32
      %add3A_253 = arith.addi %add3A_232, %add3A_252 : i32
      %lt3A_254 = arith.constant 125 : i32
      %lt3A_255 = arith.cmpi slt, %add3A_253, %lt3A_254 : i32
      %convert_element_type3A_256 = arith.extui %lt3A_255 : i1 to i32
      %cond3A_257 = arith.constant 0 : i32
      %cond3A_258 = arith.cmpi ne, %convert_element_type3A_256, %cond3A_257 : i32
      scf.if %cond3A_258 {
        %mul3A_319 = arith.constant 10000 : i32
        %mul3A_320 = arith.muli %add3A, %mul3A_319 : i32
        %mul3A_321 = arith.constant 80 : i32
        %mul3A_322 = arith.muli %add3A_253, %mul3A_321 : i32
        %add3A_323 = arith.addi %mul3A_320, %mul3A_322 : i32
        %dma_start3A_324 = arith.constant 0 : i32
        %dma_start3A_325 = arith.constant 0 : i32
        %dma_start3A_326 = arith.constant 0 : i32
        %dma_start3A_327 = tpu.memref_slice %arg9[%dma_start3A_324, %dma_start3A_325, %dma_start3A_326] : memref<3x80x128xf32, #tpu.memory_space<vmem>> -> memref<1x80x128xf32, #tpu.memory_space<vmem>>
        %dma_start3A_328 = tpu.memref_squeeze %dma_start3A_327 : memref<1x80x128xf32, #tpu.memory_space<vmem>> -> memref<80x128xf32, #tpu.memory_space<vmem>>
        %dma_start3A_329 = arith.constant 0 : i32
        %dma_start3A_330 = tpu.memref_slice %arg3[%add3A_323, %dma_start3A_329] : memref<320000x128xf32, #tpu.memory_space<hbm>> -> memref<80x128xf32, #tpu.memory_space<hbm>>
        %dma_start3A_331 = arith.constant 0 : i32
        %dma_start3A_332 = arith.constant 0 : i32
        %dma_start3A_333 = tpu.memref_slice %arg9[%dma_start3A_324, %dma_start3A_331, %dma_start3A_332] : memref<3x80x128xf32, #tpu.memory_space<vmem>> -> memref<1x80x128xf32, #tpu.memory_space<vmem>>
        %dma_start3A_334 = tpu.memref_squeeze %dma_start3A_333 : memref<1x80x128xf32, #tpu.memory_space<vmem>> -> memref<80x128xf32, #tpu.memory_space<vmem>>
        %dma_start3A_335 = arith.constant 0 : i32
        %dma_start3A_336 = tpu.memref_slice %arg3[%add3A_323, %dma_start3A_335] : memref<320000x128xf32, #tpu.memory_space<hbm>> -> memref<80x128xf32, #tpu.memory_space<hbm>>
        tpu.enqueue_dma source(%dma_start3A_336 : memref<80x128xf32, #tpu.memory_space<hbm>>) target(%dma_start3A_334 : memref<80x128xf32, #tpu.memory_space<vmem>>) target_semaphore(%arg12 : memref<!tpu.dma_semaphore, #tpu.memory_space<semaphore_mem>>)
      } else {
      }
      %mul3A_259 = arith.constant 3 : i32
      %mul3A_260 = arith.muli %scan3A_228, %mul3A_259 : i32
      %add3A_261 = arith.constant 1 : i32
      %add3A_262 = arith.addi %mul3A_260, %add3A_261 : i32
      %mul3A_263 = arith.constant 10000 : i32
      %mul3A_264 = arith.muli %add3A, %mul3A_263 : i32
      %mul3A_265 = arith.constant 80 : i32
      %mul3A_266 = arith.muli %add3A_262, %mul3A_265 : i32
      %add3A_267 = arith.addi %mul3A_264, %mul3A_266 : i32
      %dma_wait3A_268 = arith.constant 1 : i32
      %dma_wait3A_269 = arith.constant 0 : i32
      %dma_wait3A_270 = arith.constant 0 : i32
      %dma_wait3A_271 = tpu.memref_slice %arg9[%dma_wait3A_268, %dma_wait3A_269, %dma_wait3A_270] : memref<3x80x128xf32, #tpu.memory_space<vmem>> -> memref<1x80x128xf32, #tpu.memory_space<vmem>>
      %dma_wait3A_272 = tpu.memref_squeeze %dma_wait3A_271 : memref<1x80x128xf32, #tpu.memory_space<vmem>> -> memref<80x128xf32, #tpu.memory_space<vmem>>
      %dma_wait3A_273 = arith.constant 0 : i32
      %dma_wait3A_274 = tpu.memref_slice %arg3[%add3A_267, %dma_wait3A_273] : memref<320000x128xf32, #tpu.memory_space<hbm>> -> memref<80x128xf32, #tpu.memory_space<hbm>>
      %dma_wait3A_275 = arith.constant 0 : i32
      %dma_wait3A_276 = arith.constant 0 : i32
      %dma_wait3A_277 = tpu.memref_slice %arg9[%dma_wait3A_268, %dma_wait3A_275, %dma_wait3A_276] : memref<3x80x128xf32, #tpu.memory_space<vmem>> -> memref<1x80x128xf32, #tpu.memory_space<vmem>>
      %dma_wait3A_278 = tpu.memref_squeeze %dma_wait3A_277 : memref<1x80x128xf32, #tpu.memory_space<vmem>> -> memref<80x128xf32, #tpu.memory_space<vmem>>
      %dma_wait3A_279 = arith.constant 0 : i32
      %dma_wait3A_280 = tpu.memref_slice %arg3[%add3A_267, %dma_wait3A_279] : memref<320000x128xf32, #tpu.memory_space<hbm>> -> memref<80x128xf32, #tpu.memory_space<hbm>>
      tpu.wait_dma2 semaphore(%arg13 : memref<!tpu.dma_semaphore, #tpu.memory_space<semaphore_mem>>) src(%dma_wait3A_280 : memref<80x128xf32, #tpu.memory_space<hbm>>) dst(%dma_wait3A_278 : memref<80x128xf32, #tpu.memory_space<vmem>>)
      %run_scoped3A_281 = arith.constant 1 : i32
      "tpu.region"() ({
        %run_scoped3A_319 = tpu.sem_alloc : memref<!tpu.dma_semaphore, #tpu.memory_space<semaphore_mem>>
        %dma_start3A_320 = arith.constant 0 : i32
        %dma_start3A_321 = arith.constant 0 : i32
        %dma_start3A_322 = tpu.memref_slice %arg9[%run_scoped3A_281, %dma_start3A_320, %dma_start3A_321] : memref<3x80x128xf32, #tpu.memory_space<vmem>> -> memref<1x80x128xf32, #tpu.memory_space<vmem>>
        %dma_start3A_323 = tpu.memref_squeeze %dma_start3A_322 : memref<1x80x128xf32, #tpu.memory_space<vmem>> -> memref<80x128xf32, #tpu.memory_space<vmem>>
        %dma_start3A_324 = arith.constant 0 : i32
        %dma_start3A_325 = tpu.memref_slice %arg8[%add3A_262, %dma_start3A_324] : memref<125x80xi32, #tpu.memory_space<vmem>> -> memref<1x80xi32, #tpu.memory_space<vmem>>
        %dma_start3A_326 = tpu.memref_squeeze %dma_start3A_325 : memref<1x80xi32, #tpu.memory_space<vmem>> -> memref<80xi32, #tpu.memory_space<vmem>>
        %dma_start3A_327 = arith.constant 0 : i32
        %dma_start3A_328 = arith.constant 0 : i32
        %dma_start3A_329 = tpu.memref_slice %arg7[%dma_start3A_327, %dma_start3A_328] : memref<10000x128xf32, #tpu.memory_space<vmem_shared>> -> memref<10000x128xf32, #tpu.memory_space<vmem_shared>>
        tpu.enqueue_indirect_dma source(%dma_start3A_323 : memref<80x128xf32, #tpu.memory_space<vmem>>) target(%dma_start3A_329 : memref<10000x128xf32, #tpu.memory_space<vmem_shared>>) offsets(%dma_start3A_326 : memref<80xi32, #tpu.memory_space<vmem>>) semaphore(%run_scoped3A_319 : memref<!tpu.dma_semaphore, #tpu.memory_space<semaphore_mem>>) {add = true}
        %dma_wait3A_330 = arith.constant 0 : i32
        %dma_wait3A_331 = arith.constant 0 : i32
        %dma_wait3A_332 = tpu.memref_slice %arg9[%run_scoped3A_281, %dma_wait3A_330, %dma_wait3A_331] : memref<3x80x128xf32, #tpu.memory_space<vmem>> -> memref<1x80x128xf32, #tpu.memory_space<vmem>>
        %dma_wait3A_333 = tpu.memref_squeeze %dma_wait3A_332 : memref<1x80x128xf32, #tpu.memory_space<vmem>> -> memref<80x128xf32, #tpu.memory_space<vmem>>
        %dma_wait3A_334 = arith.constant 0 : i32
        %dma_wait3A_335 = tpu.memref_slice %arg8[%add3A_262, %dma_wait3A_334] : memref<125x80xi32, #tpu.memory_space<vmem>> -> memref<1x80xi32, #tpu.memory_space<vmem>>
        %dma_wait3A_336 = tpu.memref_squeeze %dma_wait3A_335 : memref<1x80xi32, #tpu.memory_space<vmem>> -> memref<80xi32, #tpu.memory_space<vmem>>
        %dma_wait3A_337 = arith.constant 0 : i32
        %dma_wait3A_338 = arith.constant 0 : i32
        %dma_wait3A_339 = tpu.memref_slice %arg7[%dma_wait3A_337, %dma_wait3A_338] : memref<10000x128xf32, #tpu.memory_space<vmem_shared>> -> memref<10000x128xf32, #tpu.memory_space<vmem_shared>>
        tpu.wait_indirect_dma semaphore(%run_scoped3A_319 : memref<!tpu.dma_semaphore, #tpu.memory_space<semaphore_mem>>) src(%dma_wait3A_333 : memref<80x128xf32, #tpu.memory_space<vmem>>) dst(%dma_wait3A_339 : memref<10000x128xf32, #tpu.memory_space<vmem_shared>>)
        tpu.yield
      }) : () -> ()
      %add3A_282 = arith.constant 3 : i32
      %add3A_283 = arith.addi %add3A_262, %add3A_282 : i32
      %lt3A_284 = arith.constant 125 : i32
      %lt3A_285 = arith.cmpi slt, %add3A_283, %lt3A_284 : i32
      %convert_element_type3A_286 = arith.extui %lt3A_285 : i1 to i32
      %cond3A_287 = arith.constant 0 : i32
      %cond3A_288 = arith.cmpi ne, %convert_element_type3A_286, %cond3A_287 : i32
      scf.if %cond3A_288 {
        %mul3A_319 = arith.constant 10000 : i32
        %mul3A_320 = arith.muli %add3A, %mul3A_319 : i32
        %mul3A_321 = arith.constant 80 : i32
        %mul3A_322 = arith.muli %add3A_283, %mul3A_321 : i32
        %add3A_323 = arith.addi %mul3A_320, %mul3A_322 : i32
        %dma_start3A_324 = arith.constant 1 : i32
        %dma_start3A_325 = arith.constant 0 : i32
        %dma_start3A_326 = arith.constant 0 : i32
        %dma_start3A_327 = tpu.memref_slice %arg9[%dma_start3A_324, %dma_start3A_325, %dma_start3A_326] : memref<3x80x128xf32, #tpu.memory_space<vmem>> -> memref<1x80x128xf32, #tpu.memory_space<vmem>>
        %dma_start3A_328 = tpu.memref_squeeze %dma_start3A_327 : memref<1x80x128xf32, #tpu.memory_space<vmem>> -> memref<80x128xf32, #tpu.memory_space<vmem>>
        %dma_start3A_329 = arith.constant 0 : i32
        %dma_start3A_330 = tpu.memref_slice %arg3[%add3A_323, %dma_start3A_329] : memref<320000x128xf32, #tpu.memory_space<hbm>> -> memref<80x128xf32, #tpu.memory_space<hbm>>
        %dma_start3A_331 = arith.constant 0 : i32
        %dma_start3A_332 = arith.constant 0 : i32
        %dma_start3A_333 = tpu.memref_slice %arg9[%dma_start3A_324, %dma_start3A_331, %dma_start3A_332] : memref<3x80x128xf32, #tpu.memory_space<vmem>> -> memref<1x80x128xf32, #tpu.memory_space<vmem>>
        %dma_start3A_334 = tpu.memref_squeeze %dma_start3A_333 : memref<1x80x128xf32, #tpu.memory_space<vmem>> -> memref<80x128xf32, #tpu.memory_space<vmem>>
        %dma_start3A_335 = arith.constant 0 : i32
        %dma_start3A_336 = tpu.memref_slice %arg3[%add3A_323, %dma_start3A_335] : memref<320000x128xf32, #tpu.memory_space<hbm>> -> memref<80x128xf32, #tpu.memory_space<hbm>>
        tpu.enqueue_dma source(%dma_start3A_336 : memref<80x128xf32, #tpu.memory_space<hbm>>) target(%dma_start3A_334 : memref<80x128xf32, #tpu.memory_space<vmem>>) target_semaphore(%arg13 : memref<!tpu.dma_semaphore, #tpu.memory_space<semaphore_mem>>)
      } else {
      }
      %mul3A_289 = arith.constant 3 : i32
      %mul3A_290 = arith.muli %scan3A_228, %mul3A_289 : i32
      %add3A_291 = arith.constant 2 : i32
      %add3A_292 = arith.addi %mul3A_290, %add3A_291 : i32
      %mul3A_293 = arith.constant 10000 : i32
      %mul3A_294 = arith.muli %add3A, %mul3A_293 : i32
      %mul3A_295 = arith.constant 80 : i32
      %mul3A_296 = arith.muli %add3A_292, %mul3A_295 : i32
      %add3A_297 = arith.addi %mul3A_294, %mul3A_296 : i32
      %dma_wait3A_298 = arith.constant 2 : i32
      %dma_wait3A_299 = arith.constant 0 : i32
      %dma_wait3A_300 = arith.constant 0 : i32
      %dma_wait3A_301 = tpu.memref_slice %arg9[%dma_wait3A_298, %dma_wait3A_299, %dma_wait3A_300] : memref<3x80x128xf32, #tpu.memory_space<vmem>> -> memref<1x80x128xf32, #tpu.memory_space<vmem>>
      %dma_wait3A_302 = tpu.memref_squeeze %dma_wait3A_301 : memref<1x80x128xf32, #tpu.memory_space<vmem>> -> memref<80x128xf32, #tpu.memory_space<vmem>>
      %dma_wait3A_303 = arith.constant 0 : i32
      %dma_wait3A_304 = tpu.memref_slice %arg3[%add3A_297, %dma_wait3A_303] : memref<320000x128xf32, #tpu.memory_space<hbm>> -> memref<80x128xf32, #tpu.memory_space<hbm>>
      %dma_wait3A_305 = arith.constant 0 : i32
      %dma_wait3A_306 = arith.constant 0 : i32
      %dma_wait3A_307 = tpu.memref_slice %arg9[%dma_wait3A_298, %dma_wait3A_305, %dma_wait3A_306] : memref<3x80x128xf32, #tpu.memory_space<vmem>> -> memref<1x80x128xf32, #tpu.memory_space<vmem>>
      %dma_wait3A_308 = tpu.memref_squeeze %dma_wait3A_307 : memref<1x80x128xf32, #tpu.memory_space<vmem>> -> memref<80x128xf32, #tpu.memory_space<vmem>>
      %dma_wait3A_309 = arith.constant 0 : i32
      %dma_wait3A_310 = tpu.memref_slice %arg3[%add3A_297, %dma_wait3A_309] : memref<320000x128xf32, #tpu.memory_space<hbm>> -> memref<80x128xf32, #tpu.memory_space<hbm>>
      tpu.wait_dma2 semaphore(%arg14 : memref<!tpu.dma_semaphore, #tpu.memory_space<semaphore_mem>>) src(%dma_wait3A_310 : memref<80x128xf32, #tpu.memory_space<hbm>>) dst(%dma_wait3A_308 : memref<80x128xf32, #tpu.memory_space<vmem>>)
      %run_scoped3A_311 = arith.constant 2 : i32
      "tpu.region"() ({
        %run_scoped3A_319 = tpu.sem_alloc : memref<!tpu.dma_semaphore, #tpu.memory_space<semaphore_mem>>
        %dma_start3A_320 = arith.constant 0 : i32
        %dma_start3A_321 = arith.constant 0 : i32
        %dma_start3A_322 = tpu.memref_slice %arg9[%run_scoped3A_311, %dma_start3A_320, %dma_start3A_321] : memref<3x80x128xf32, #tpu.memory_space<vmem>> -> memref<1x80x128xf32, #tpu.memory_space<vmem>>
        %dma_start3A_323 = tpu.memref_squeeze %dma_start3A_322 : memref<1x80x128xf32, #tpu.memory_space<vmem>> -> memref<80x128xf32, #tpu.memory_space<vmem>>
        %dma_start3A_324 = arith.constant 0 : i32
        %dma_start3A_325 = tpu.memref_slice %arg8[%add3A_292, %dma_start3A_324] : memref<125x80xi32, #tpu.memory_space<vmem>> -> memref<1x80xi32, #tpu.memory_space<vmem>>
        %dma_start3A_326 = tpu.memref_squeeze %dma_start3A_325 : memref<1x80xi32, #tpu.memory_space<vmem>> -> memref<80xi32, #tpu.memory_space<vmem>>
        %dma_start3A_327 = arith.constant 0 : i32
        %dma_start3A_328 = arith.constant 0 : i32
        %dma_start3A_329 = tpu.memref_slice %arg7[%dma_start3A_327, %dma_start3A_328] : memref<10000x128xf32, #tpu.memory_space<vmem_shared>> -> memref<10000x128xf32, #tpu.memory_space<vmem_shared>>
        tpu.enqueue_indirect_dma source(%dma_start3A_323 : memref<80x128xf32, #tpu.memory_space<vmem>>) target(%dma_start3A_329 : memref<10000x128xf32, #tpu.memory_space<vmem_shared>>) offsets(%dma_start3A_326 : memref<80xi32, #tpu.memory_space<vmem>>) semaphore(%run_scoped3A_319 : memref<!tpu.dma_semaphore, #tpu.memory_space<semaphore_mem>>) {add = true}
        %dma_wait3A_330 = arith.constant 0 : i32
        %dma_wait3A_331 = arith.constant 0 : i32
        %dma_wait3A_332 = tpu.memref_slice %arg9[%run_scoped3A_311, %dma_wait3A_330, %dma_wait3A_331] : memref<3x80x128xf32, #tpu.memory_space<vmem>> -> memref<1x80x128xf32, #tpu.memory_space<vmem>>
        %dma_wait3A_333 = tpu.memref_squeeze %dma_wait3A_332 : memref<1x80x128xf32, #tpu.memory_space<vmem>> -> memref<80x128xf32, #tpu.memory_space<vmem>>
        %dma_wait3A_334 = arith.constant 0 : i32
        %dma_wait3A_335 = tpu.memref_slice %arg8[%add3A_292, %dma_wait3A_334] : memref<125x80xi32, #tpu.memory_space<vmem>> -> memref<1x80xi32, #tpu.memory_space<vmem>>
        %dma_wait3A_336 = tpu.memref_squeeze %dma_wait3A_335 : memref<1x80xi32, #tpu.memory_space<vmem>> -> memref<80xi32, #tpu.memory_space<vmem>>
        %dma_wait3A_337 = arith.constant 0 : i32
        %dma_wait3A_338 = arith.constant 0 : i32
        %dma_wait3A_339 = tpu.memref_slice %arg7[%dma_wait3A_337, %dma_wait3A_338] : memref<10000x128xf32, #tpu.memory_space<vmem_shared>> -> memref<10000x128xf32, #tpu.memory_space<vmem_shared>>
        tpu.wait_indirect_dma semaphore(%run_scoped3A_319 : memref<!tpu.dma_semaphore, #tpu.memory_space<semaphore_mem>>) src(%dma_wait3A_333 : memref<80x128xf32, #tpu.memory_space<vmem>>) dst(%dma_wait3A_339 : memref<10000x128xf32, #tpu.memory_space<vmem_shared>>)
        tpu.yield
      }) : () -> ()
      %add3A_312 = arith.constant 3 : i32
      %add3A_313 = arith.addi %add3A_292, %add3A_312 : i32
      %lt3A_314 = arith.constant 125 : i32
      %lt3A_315 = arith.cmpi slt, %add3A_313, %lt3A_314 : i32
      %convert_element_type3A_316 = arith.extui %lt3A_315 : i1 to i32
      %cond3A_317 = arith.constant 0 : i32
      %cond3A_318 = arith.cmpi ne, %convert_element_type3A_316, %cond3A_317 : i32
      scf.if %cond3A_318 {
        %mul3A_319 = arith.constant 10000 : i32
        %mul3A_320 = arith.muli %add3A, %mul3A_319 : i32
        %mul3A_321 = arith.constant 80 : i32
        %mul3A_322 = arith.muli %add3A_313, %mul3A_321 : i32
        %add3A_323 = arith.addi %mul3A_320, %mul3A_322 : i32
        %dma_start3A_324 = arith.constant 2 : i32
        %dma_start3A_325 = arith.constant 0 : i32
        %dma_start3A_326 = arith.constant 0 : i32
        %dma_start3A_327 = tpu.memref_slice %arg9[%dma_start3A_324, %dma_start3A_325, %dma_start3A_326] : memref<3x80x128xf32, #tpu.memory_space<vmem>> -> memref<1x80x128xf32, #tpu.memory_space<vmem>>
        %dma_start3A_328 = tpu.memref_squeeze %dma_start3A_327 : memref<1x80x128xf32, #tpu.memory_space<vmem>> -> memref<80x128xf32, #tpu.memory_space<vmem>>
        %dma_start3A_329 = arith.constant 0 : i32
        %dma_start3A_330 = tpu.memref_slice %arg3[%add3A_323, %dma_start3A_329] : memref<320000x128xf32, #tpu.memory_space<hbm>> -> memref<80x128xf32, #tpu.memory_space<hbm>>
        %dma_start3A_331 = arith.constant 0 : i32
        %dma_start3A_332 = arith.constant 0 : i32
        %dma_start3A_333 = tpu.memref_slice %arg9[%dma_start3A_324, %dma_start3A_331, %dma_start3A_332] : memref<3x80x128xf32, #tpu.memory_space<vmem>> -> memref<1x80x128xf32, #tpu.memory_space<vmem>>
        %dma_start3A_334 = tpu.memref_squeeze %dma_start3A_333 : memref<1x80x128xf32, #tpu.memory_space<vmem>> -> memref<80x128xf32, #tpu.memory_space<vmem>>
        %dma_start3A_335 = arith.constant 0 : i32
        %dma_start3A_336 = tpu.memref_slice %arg3[%add3A_323, %dma_start3A_335] : memref<320000x128xf32, #tpu.memory_space<hbm>> -> memref<80x128xf32, #tpu.memory_space<hbm>>
        tpu.enqueue_dma source(%dma_start3A_336 : memref<80x128xf32, #tpu.memory_space<hbm>>) target(%dma_start3A_334 : memref<80x128xf32, #tpu.memory_space<vmem>>) target_semaphore(%arg14 : memref<!tpu.dma_semaphore, #tpu.memory_space<semaphore_mem>>)
      } else {
      }
    }
    %scan3A_181 = arith.constant 41 : i32
    %mul3A_182 = arith.constant 10000 : i32
    %mul3A_183 = arith.muli %add3A, %mul3A_182 : i32
    %add3A_184 = arith.constant 9840 : i32
    %add3A_185 = arith.addi %mul3A_183, %add3A_184 : i32
    %dma_wait3A_186 = arith.constant 0 : i32
    %dma_wait3A_187 = arith.constant 0 : i32
    %dma_wait3A_188 = arith.constant 0 : i32
    %dma_wait3A_189 = tpu.memref_slice %arg9[%dma_wait3A_186, %dma_wait3A_187, %dma_wait3A_188] : memref<3x80x128xf32, #tpu.memory_space<vmem>> -> memref<1x80x128xf32, #tpu.memory_space<vmem>>
    %dma_wait3A_190 = tpu.memref_squeeze %dma_wait3A_189 : memref<1x80x128xf32, #tpu.memory_space<vmem>> -> memref<80x128xf32, #tpu.memory_space<vmem>>
    %dma_wait3A_191 = arith.constant 0 : i32
    %dma_wait3A_192 = tpu.memref_slice %arg3[%add3A_185, %dma_wait3A_191] : memref<320000x128xf32, #tpu.memory_space<hbm>> -> memref<80x128xf32, #tpu.memory_space<hbm>>
    %dma_wait3A_193 = arith.constant 0 : i32
    %dma_wait3A_194 = arith.constant 0 : i32
    %dma_wait3A_195 = tpu.memref_slice %arg9[%dma_wait3A_186, %dma_wait3A_193, %dma_wait3A_194] : memref<3x80x128xf32, #tpu.memory_space<vmem>> -> memref<1x80x128xf32, #tpu.memory_space<vmem>>
    %dma_wait3A_196 = tpu.memref_squeeze %dma_wait3A_195 : memref<1x80x128xf32, #tpu.memory_space<vmem>> -> memref<80x128xf32, #tpu.memory_space<vmem>>
    %dma_wait3A_197 = arith.constant 0 : i32
    %dma_wait3A_198 = tpu.memref_slice %arg3[%add3A_185, %dma_wait3A_197] : memref<320000x128xf32, #tpu.memory_space<hbm>> -> memref<80x128xf32, #tpu.memory_space<hbm>>
    tpu.wait_dma2 semaphore(%arg12 : memref<!tpu.dma_semaphore, #tpu.memory_space<semaphore_mem>>) src(%dma_wait3A_198 : memref<80x128xf32, #tpu.memory_space<hbm>>) dst(%dma_wait3A_196 : memref<80x128xf32, #tpu.memory_space<vmem>>)
    %run_scoped3A_199 = arith.constant 0 : i32
    %run_scoped3A_200 = arith.constant 123 : i32
    "tpu.region"() ({
      %run_scoped3A_228 = tpu.sem_alloc : memref<!tpu.dma_semaphore, #tpu.memory_space<semaphore_mem>>
      %dma_start3A_229 = arith.constant 0 : i32
      %dma_start3A_230 = arith.constant 0 : i32
      %dma_start3A_231 = tpu.memref_slice %arg9[%run_scoped3A_199, %dma_start3A_229, %dma_start3A_230] : memref<3x80x128xf32, #tpu.memory_space<vmem>> -> memref<1x80x128xf32, #tpu.memory_space<vmem>>
      %dma_start3A_232 = tpu.memref_squeeze %dma_start3A_231 : memref<1x80x128xf32, #tpu.memory_space<vmem>> -> memref<80x128xf32, #tpu.memory_space<vmem>>
      %dma_start3A_233 = arith.constant 0 : i32
      %dma_start3A_234 = tpu.memref_slice %arg8[%run_scoped3A_200, %dma_start3A_233] : memref<125x80xi32, #tpu.memory_space<vmem>> -> memref<1x80xi32, #tpu.memory_space<vmem>>
      %dma_start3A_235 = tpu.memref_squeeze %dma_start3A_234 : memref<1x80xi32, #tpu.memory_space<vmem>> -> memref<80xi32, #tpu.memory_space<vmem>>
      %dma_start3A_236 = arith.constant 0 : i32
      %dma_start3A_237 = arith.constant 0 : i32
      %dma_start3A_238 = tpu.memref_slice %arg7[%dma_start3A_236, %dma_start3A_237] : memref<10000x128xf32, #tpu.memory_space<vmem_shared>> -> memref<10000x128xf32, #tpu.memory_space<vmem_shared>>
      tpu.enqueue_indirect_dma source(%dma_start3A_232 : memref<80x128xf32, #tpu.memory_space<vmem>>) target(%dma_start3A_238 : memref<10000x128xf32, #tpu.memory_space<vmem_shared>>) offsets(%dma_start3A_235 : memref<80xi32, #tpu.memory_space<vmem>>) semaphore(%run_scoped3A_228 : memref<!tpu.dma_semaphore, #tpu.memory_space<semaphore_mem>>) {add = true}
      %dma_wait3A_239 = arith.constant 0 : i32
      %dma_wait3A_240 = arith.constant 0 : i32
      %dma_wait3A_241 = tpu.memref_slice %arg9[%run_scoped3A_199, %dma_wait3A_239, %dma_wait3A_240] : memref<3x80x128xf32, #tpu.memory_space<vmem>> -> memref<1x80x128xf32, #tpu.memory_space<vmem>>
      %dma_wait3A_242 = tpu.memref_squeeze %dma_wait3A_241 : memref<1x80x128xf32, #tpu.memory_space<vmem>> -> memref<80x128xf32, #tpu.memory_space<vmem>>
      %dma_wait3A_243 = arith.constant 0 : i32
      %dma_wait3A_244 = tpu.memref_slice %arg8[%run_scoped3A_200, %dma_wait3A_243] : memref<125x80xi32, #tpu.memory_space<vmem>> -> memref<1x80xi32, #tpu.memory_space<vmem>>
      %dma_wait3A_245 = tpu.memref_squeeze %dma_wait3A_244 : memref<1x80xi32, #tpu.memory_space<vmem>> -> memref<80xi32, #tpu.memory_space<vmem>>
      %dma_wait3A_246 = arith.constant 0 : i32
      %dma_wait3A_247 = arith.constant 0 : i32
      %dma_wait3A_248 = tpu.memref_slice %arg7[%dma_wait3A_246, %dma_wait3A_247] : memref<10000x128xf32, #tpu.memory_space<vmem_shared>> -> memref<10000x128xf32, #tpu.memory_space<vmem_shared>>
      tpu.wait_indirect_dma semaphore(%run_scoped3A_228 : memref<!tpu.dma_semaphore, #tpu.memory_space<semaphore_mem>>) src(%dma_wait3A_242 : memref<80x128xf32, #tpu.memory_space<vmem>>) dst(%dma_wait3A_248 : memref<10000x128xf32, #tpu.memory_space<vmem_shared>>)
      tpu.yield
    }) : () -> ()
    %mul3A_201 = arith.constant 10000 : i32
    %mul3A_202 = arith.muli %add3A, %mul3A_201 : i32
    %add3A_203 = arith.constant 9920 : i32
    %add3A_204 = arith.addi %mul3A_202, %add3A_203 : i32
    %dma_wait3A_205 = arith.constant 1 : i32
    %dma_wait3A_206 = arith.constant 0 : i32
    %dma_wait3A_207 = arith.constant 0 : i32
    %dma_wait3A_208 = tpu.memref_slice %arg9[%dma_wait3A_205, %dma_wait3A_206, %dma_wait3A_207] : memref<3x80x128xf32, #tpu.memory_space<vmem>> -> memref<1x80x128xf32, #tpu.memory_space<vmem>>
    %dma_wait3A_209 = tpu.memref_squeeze %dma_wait3A_208 : memref<1x80x128xf32, #tpu.memory_space<vmem>> -> memref<80x128xf32, #tpu.memory_space<vmem>>
    %dma_wait3A_210 = arith.constant 0 : i32
    %dma_wait3A_211 = tpu.memref_slice %arg3[%add3A_204, %dma_wait3A_210] : memref<320000x128xf32, #tpu.memory_space<hbm>> -> memref<80x128xf32, #tpu.memory_space<hbm>>
    %dma_wait3A_212 = arith.constant 0 : i32
    %dma_wait3A_213 = arith.constant 0 : i32
    %dma_wait3A_214 = tpu.memref_slice %arg9[%dma_wait3A_205, %dma_wait3A_212, %dma_wait3A_213] : memref<3x80x128xf32, #tpu.memory_space<vmem>> -> memref<1x80x128xf32, #tpu.memory_space<vmem>>
    %dma_wait3A_215 = tpu.memref_squeeze %dma_wait3A_214 : memref<1x80x128xf32, #tpu.memory_space<vmem>> -> memref<80x128xf32, #tpu.memory_space<vmem>>
    %dma_wait3A_216 = arith.constant 0 : i32
    %dma_wait3A_217 = tpu.memref_slice %arg3[%add3A_204, %dma_wait3A_216] : memref<320000x128xf32, #tpu.memory_space<hbm>> -> memref<80x128xf32, #tpu.memory_space<hbm>>
    tpu.wait_dma2 semaphore(%arg13 : memref<!tpu.dma_semaphore, #tpu.memory_space<semaphore_mem>>) src(%dma_wait3A_217 : memref<80x128xf32, #tpu.memory_space<hbm>>) dst(%dma_wait3A_215 : memref<80x128xf32, #tpu.memory_space<vmem>>)
    %run_scoped3A_218 = arith.constant 1 : i32
    %run_scoped3A_219 = arith.constant 124 : i32
    "tpu.region"() ({
      %run_scoped3A_228 = tpu.sem_alloc : memref<!tpu.dma_semaphore, #tpu.memory_space<semaphore_mem>>
      %dma_start3A_229 = arith.constant 0 : i32
      %dma_start3A_230 = arith.constant 0 : i32
      %dma_start3A_231 = tpu.memref_slice %arg9[%run_scoped3A_218, %dma_start3A_229, %dma_start3A_230] : memref<3x80x128xf32, #tpu.memory_space<vmem>> -> memref<1x80x128xf32, #tpu.memory_space<vmem>>
      %dma_start3A_232 = tpu.memref_squeeze %dma_start3A_231 : memref<1x80x128xf32, #tpu.memory_space<vmem>> -> memref<80x128xf32, #tpu.memory_space<vmem>>
      %dma_start3A_233 = arith.constant 0 : i32
      %dma_start3A_234 = tpu.memref_slice %arg8[%run_scoped3A_219, %dma_start3A_233] : memref<125x80xi32, #tpu.memory_space<vmem>> -> memref<1x80xi32, #tpu.memory_space<vmem>>
      %dma_start3A_235 = tpu.memref_squeeze %dma_start3A_234 : memref<1x80xi32, #tpu.memory_space<vmem>> -> memref<80xi32, #tpu.memory_space<vmem>>
      %dma_start3A_236 = arith.constant 0 : i32
      %dma_start3A_237 = arith.constant 0 : i32
      %dma_start3A_238 = tpu.memref_slice %arg7[%dma_start3A_236, %dma_start3A_237] : memref<10000x128xf32, #tpu.memory_space<vmem_shared>> -> memref<10000x128xf32, #tpu.memory_space<vmem_shared>>
      tpu.enqueue_indirect_dma source(%dma_start3A_232 : memref<80x128xf32, #tpu.memory_space<vmem>>) target(%dma_start3A_238 : memref<10000x128xf32, #tpu.memory_space<vmem_shared>>) offsets(%dma_start3A_235 : memref<80xi32, #tpu.memory_space<vmem>>) semaphore(%run_scoped3A_228 : memref<!tpu.dma_semaphore, #tpu.memory_space<semaphore_mem>>) {add = true}
      %dma_wait3A_239 = arith.constant 0 : i32
      %dma_wait3A_240 = arith.constant 0 : i32
      %dma_wait3A_241 = tpu.memref_slice %arg9[%run_scoped3A_218, %dma_wait3A_239, %dma_wait3A_240] : memref<3x80x128xf32, #tpu.memory_space<vmem>> -> memref<1x80x128xf32, #tpu.memory_space<vmem>>
      %dma_wait3A_242 = tpu.memref_squeeze %dma_wait3A_241 : memref<1x80x128xf32, #tpu.memory_space<vmem>> -> memref<80x128xf32, #tpu.memory_space<vmem>>
      %dma_wait3A_243 = arith.constant 0 : i32
      %dma_wait3A_244 = tpu.memref_slice %arg8[%run_scoped3A_219, %dma_wait3A_243] : memref<125x80xi32, #tpu.memory_space<vmem>> -> memref<1x80xi32, #tpu.memory_space<vmem>>
      %dma_wait3A_245 = tpu.memref_squeeze %dma_wait3A_244 : memref<1x80xi32, #tpu.memory_space<vmem>> -> memref<80xi32, #tpu.memory_space<vmem>>
      %dma_wait3A_246 = arith.constant 0 : i32
      %dma_wait3A_247 = arith.constant 0 : i32
      %dma_wait3A_248 = tpu.memref_slice %arg7[%dma_wait3A_246, %dma_wait3A_247] : memref<10000x128xf32, #tpu.memory_space<vmem_shared>> -> memref<10000x128xf32, #tpu.memory_space<vmem_shared>>
      tpu.wait_indirect_dma semaphore(%run_scoped3A_228 : memref<!tpu.dma_semaphore, #tpu.memory_space<semaphore_mem>>) src(%dma_wait3A_242 : memref<80x128xf32, #tpu.memory_space<vmem>>) dst(%dma_wait3A_248 : memref<10000x128xf32, #tpu.memory_space<vmem_shared>>)
      tpu.yield
    }) : () -> ()
    %barrier3A_220 = arith.constant 0 : index
    tpu.barrier barrier_id(%barrier3A_220)
    %lt3A_221 = arith.constant 15 : i32
    %lt3A_222 = arith.cmpi slt, %arg1, %lt3A_221 : i32
    %convert_element_type3A = arith.extui %lt3A_222 : i1 to i32
    %cond3A = arith.constant 0 : i32
    %cond3A_223 = arith.cmpi ne, %convert_element_type3A, %cond3A : i32
    scf.if %cond3A_223 {
      %mul3A_228 = arith.constant 640 : i32
      %mul3A_229 = arith.muli %arg1, %mul3A_228 : i32
      %mul3A_230 = arith.constant 10000 : i32
      %mul3A_231 = arith.muli %arg0, %mul3A_230 : i32
      %mul3A_232 = arith.constant 640 : i32
      %mul3A_233 = arith.muli %arg1, %mul3A_232 : i32
      %add3A_234 = arith.addi %mul3A_231, %mul3A_233 : i32
      "tpu.region"() ({
        %run_scoped3A_235 = tpu.sem_alloc : memref<!tpu.dma_semaphore, #tpu.memory_space<semaphore_mem>>
        %dma_start3A_236 = arith.constant 0 : i32
        %dma_start3A_237 = tpu.memref_slice %arg6[%add3A_234, %dma_start3A_236] : memref<20000x128xf32, #tpu.memory_space<hbm>> -> memref<640x128xf32, #tpu.memory_space<hbm>>
        %dma_start3A_238 = arith.constant 0 : i32
        %dma_start3A_239 = tpu.memref_slice %arg7[%mul3A_229, %dma_start3A_238] : memref<10000x128xf32, #tpu.memory_space<vmem_shared>> -> memref<640x128xf32, #tpu.memory_space<vmem_shared>>
        tpu.enqueue_dma source(%dma_start3A_239 : memref<640x128xf32, #tpu.memory_space<vmem_shared>>) target(%dma_start3A_237 : memref<640x128xf32, #tpu.memory_space<hbm>>) target_semaphore(%run_scoped3A_235 : memref<!tpu.dma_semaphore, #tpu.memory_space<semaphore_mem>>)
        %dma_wait3A_240 = arith.constant 0 : i32
        %dma_wait3A_241 = tpu.memref_slice %arg6[%add3A_234, %dma_wait3A_240] : memref<20000x128xf32, #tpu.memory_space<hbm>> -> memref<640x128xf32, #tpu.memory_space<hbm>>
        %dma_wait3A_242 = arith.constant 0 : i32
        %dma_wait3A_243 = tpu.memref_slice %arg7[%mul3A_229, %dma_wait3A_242] : memref<10000x128xf32, #tpu.memory_space<vmem_shared>> -> memref<640x128xf32, #tpu.memory_space<vmem_shared>>
        tpu.wait_dma2 semaphore(%run_scoped3A_235 : memref<!tpu.dma_semaphore, #tpu.memory_space<semaphore_mem>>) src(%dma_wait3A_243 : memref<640x128xf32, #tpu.memory_space<vmem_shared>>) dst(%dma_wait3A_241 : memref<640x128xf32, #tpu.memory_space<hbm>>)
        tpu.yield
      }) : () -> ()
    } else {
    }
    %eq3A = arith.constant 15 : i32
    %eq3A_224 = arith.cmpi eq, %arg1, %eq3A : i32
    %convert_element_type3A_225 = arith.extui %eq3A_224 : i1 to i32
    %cond3A_226 = arith.constant 0 : i32
    %cond3A_227 = arith.cmpi ne, %convert_element_type3A_225, %cond3A_226 : i32
    scf.if %cond3A_227 {
      %mul3A_228 = arith.constant 10000 : i32
      %mul3A_229 = arith.muli %arg0, %mul3A_228 : i32
      %add3A_230 = arith.constant 9600 : i32
      %add3A_231 = arith.addi %mul3A_229, %add3A_230 : i32
      "tpu.region"() ({
        %run_scoped3A_232 = tpu.sem_alloc : memref<!tpu.dma_semaphore, #tpu.memory_space<semaphore_mem>>
        %dma_start3A_233 = arith.constant 0 : i32
        %dma_start3A_234 = tpu.memref_slice %arg6[%add3A_231, %dma_start3A_233] : memref<20000x128xf32, #tpu.memory_space<hbm>> -> memref<400x128xf32, #tpu.memory_space<hbm>>
        %dma_start3A_235 = arith.constant 9600 : i32
        %dma_start3A_236 = arith.constant 0 : i32
        %dma_start3A_237 = tpu.memref_slice %arg7[%dma_start3A_235, %dma_start3A_236] : memref<10000x128xf32, #tpu.memory_space<vmem_shared>> -> memref<400x128xf32, #tpu.memory_space<vmem_shared>>
        tpu.enqueue_dma source(%dma_start3A_237 : memref<400x128xf32, #tpu.memory_space<vmem_shared>>) target(%dma_start3A_234 : memref<400x128xf32, #tpu.memory_space<hbm>>) target_semaphore(%run_scoped3A_232 : memref<!tpu.dma_semaphore, #tpu.memory_space<semaphore_mem>>)
        %dma_wait3A_238 = arith.constant 0 : i32
        %dma_wait3A_239 = tpu.memref_slice %arg6[%add3A_231, %dma_wait3A_238] : memref<20000x128xf32, #tpu.memory_space<hbm>> -> memref<400x128xf32, #tpu.memory_space<hbm>>
        %dma_wait3A_240 = arith.constant 9600 : i32
        %dma_wait3A_241 = arith.constant 0 : i32
        %dma_wait3A_242 = tpu.memref_slice %arg7[%dma_wait3A_240, %dma_wait3A_241] : memref<10000x128xf32, #tpu.memory_space<vmem_shared>> -> memref<400x128xf32, #tpu.memory_space<vmem_shared>>
        tpu.wait_dma2 semaphore(%run_scoped3A_232 : memref<!tpu.dma_semaphore, #tpu.memory_space<semaphore_mem>>) src(%dma_wait3A_242 : memref<400x128xf32, #tpu.memory_space<vmem_shared>>) dst(%dma_wait3A_239 : memref<400x128xf32, #tpu.memory_space<hbm>>)
        tpu.yield
      }) : () -> ()
    } else {
    }
    return
  }
}

module attributes {stable_mosaic.version = 14 : i64} {
  func.func @body(%arg0: i32, %arg1: memref<1xf32, #tpu.memory_space<smem>>, %arg2: memref<10000x128xf32, #tpu.memory_space<vmem>>, %arg3: memref<10000x128xf32, #tpu.memory_space<vmem>>, %arg4: memref<10000x128xf32, #tpu.memory_space<vmem>>, %arg5: memref<10000x128xf32, #tpu.memory_space<vmem>>) attributes {dimension_semantics = [#tpu.dimension_semantics<arbitrary>], iteration_bounds = array<i64: 1>, scalar_prefetch = 0 : i64, scratch_operands = 0 : i64, tpu.core_type = #tpu.core_type<tc>, window_params = [{transform_indices = @transform_0, window_bounds = array<i64: 1>}, {transform_indices = @transform_1, window_bounds = array<i64: 10000, 128>}, {transform_indices = @transform_2, window_bounds = array<i64: 10000, 128>}, {pipeline_mode = #tpu.pipeline_mode<synchronous>, transform_indices = @transform_3, window_bounds = array<i64: 10000, 128>}, {pipeline_mode = #tpu.pipeline_mode<synchronous>, transform_indices = @transform_4, window_bounds = array<i64: 10000, 128>}]} {
    %get3A = arith.constant 0 : index
    %get3A_0 = arith.constant 0 : index
    %get3A_1 = vector.load %arg2[%get3A, %get3A_0] : memref<10000x128xf32, #tpu.memory_space<vmem>>, vector<10000x128xf32>
    %get3A_2 = arith.constant 0 : index
    %get3A_3 = arith.constant 0 : index
    %get3A_4 = vector.load %arg3[%get3A_2, %get3A_3] : memref<10000x128xf32, #tpu.memory_space<vmem>>, vector<10000x128xf32>
    %add3A = arith.addf %get3A_1, %get3A_4 : vector<10000x128xf32>
    %get3A_5 = arith.constant 0 : index
    %get3A_6 = memref.load %arg1[%get3A_5] : memref<1xf32, #tpu.memory_space<smem>>
    %mul3A = vector.broadcast %get3A_6 : f32 to vector<10000x128xf32>
    %mul3A_7 = arith.mulf %add3A, %mul3A : vector<10000x128xf32>
    %get3A_8 = arith.constant 0 : index
    %get3A_9 = arith.constant 0 : index
    %get3A_10 = vector.load %arg4[%get3A_8, %get3A_9] : memref<10000x128xf32, #tpu.memory_space<vmem>>, vector<10000x128xf32>
    %add3A_11 = arith.addf %mul3A_7, %get3A_10 : vector<10000x128xf32>
    %swap3A = arith.constant 0 : index
    %swap3A_12 = arith.constant 0 : index
    %swap3A_13 = vector.load %arg5[%swap3A, %swap3A_12] : memref<10000x128xf32, #tpu.memory_space<vmem>>, vector<10000x128xf32>
    tpu.vector_store %arg5[%swap3A, %swap3A_12], %add3A_11 {strides = array<i32>} : memref<10000x128xf32, #tpu.memory_space<vmem>>, vector<10000x128xf32>,
    return
  }
  func.func @transform_0(%arg0: i32) -> i32 {
    %c0_i32 = arith.constant 0 : i32
    %c0_i32_0 = arith.constant 0 : i32
    return %c0_i32 : i32
  }
  func.func @transform_1(%arg0: i32) -> (i32, i32) {
    %c0_i32 = arith.constant 0 : i32
    %c0_i32_0 = arith.constant 0 : i32
    %c0_i32_1 = arith.constant 0 : i32
    return %c0_i32, %c0_i32_0 : i32, i32
  }
  func.func @transform_2(%arg0: i32) -> (i32, i32) {
    %c1_i32 = arith.constant 1 : i32
    %c0_i32 = arith.constant 0 : i32
    %c0_i32_0 = arith.constant 0 : i32
    return %c1_i32, %c0_i32 : i32, i32
  }
  func.func @transform_3(%arg0: i32) -> (i32, i32) {
    %c0_i32 = arith.constant 0 : i32
    %c0_i32_0 = arith.constant 0 : i32
    %c0_i32_1 = arith.constant 0 : i32
    return %c0_i32, %c0_i32_0 : i32, i32
  }
  func.func @transform_4(%arg0: i32) -> (i32, i32) {
    %c0_i32 = arith.constant 0 : i32
    %c0_i32_0 = arith.constant 0 : i32
    %c0_i32_1 = arith.constant 0 : i32
    return %c0_i32, %c0_i32_0 : i32, i32
  }
}

</mosaic_0001>

<sc_bundles>
// kernel: kernel.4.cloned.1.call-start
scs
__scs_entry_jumppad:
0x0: {  	(pc) =	sbr.rel $0x88, $3  }
0x1: {  	(tag) =	ssettag $0x0;
	lr =	simm.s32 $0x1  }
0x2: {  	[smem:$0x3F9B] =	sst lr;
	_ =	strace $0xD0000000  }
0x3: {  	_ = 	snop  }
0x4: {  	_ = 	snop  }
0x5: {  	_ = 	snop  }
0x6: {  	_ = 	snop  }
0x7: {  	_ = 	snop  }
__scs_overlays_trampoline_lowered:
0x8: {  	[smem:$0x3FAA] =	sst s0  }
0x9: {  	[smem:$0x3FAB] =	sst s1  }
0xa: {  	[smem:$0x3FAC] =	sst s2  }
0xb: {  	[smem:$0x3FAD] =	sst s3  }
0xc: {  	[smem:$0x3FAE] =	sst s4  }
0xd: {  	[smem:$0x3FAF] =	sst s5  }
0xe: {  	[smem:$0x3FB0] =	sst s6  }
0xf: {  	[smem:$0x3FB1] =	sst s7  }
0x10: {  	[smem:$0x3FB2] =	sst s8  }
0x11: {  	[smem:$0x3FB3] =	sst s9;
	s0 =	simm.s32 @!p0 $0x0  }
0x12: {  	s1 =	sld [smem:$0x3F99];
	s0 =	simm.s32 @p0 $0x1  }
0x13: {  	[smem:$0x3FB4] =	sst s0;
	s0 =	simm.s32 @!p1 $0x0  }
0x14: {  	s2 =	sld [smem:$0x3F98];
	s0 =	simm.s32 @p1 $0x1  }
0x15: {  	[smem:$0x3FB5] =	sst s0;
	s0 =	simm.s32 @!p2 $0x0  }
0x16: {  	s3 =	sld [smem:$0x3FDB];
	s0 =	simm.s32 @p2 $0x1  }
0x17: {  	s4 =	simm.s32 $0x1BF5;
	[smem:$0x3FB7] =	sst s0  }
0x18: {  	s0 =	sld [smem:$0x3F9A];
	_ =	swait.ge [sflag:s4], $0x0  }
0x19: {  	s7 =	sld [smem:$0x3F9B]  }
0x1a: {  	s8 =	sadd.s32 $0xFFFFE003, lr  }
0x1b: {  	s9 =	sadd.s32 $0xFFFFFEF7, lr;
	s5 =	simm.s32 $0xFFFFFFFF;
	p2 =	slt.u32 s8, $0xFFFFF086  }
0x1c: {  	p1 =	slt.u32 s9, $0xF7A;
	s5 =	simm.s32 @!p2 $0x0  }
0x1d: {  	s5 =	simm.s32 @p1 $0x1;
	p0 =	seq.s32 s7, s2  }
0x1e: {  	s7 =	smul.u32 @!p0 $0xF7A, s2;
	p2 =	seq.s32 @!p0 s5, $0x0  }
0x1f: {  	s9 =	smul.u32 $0xF7A, s1;
	s8 =	simm.s32 @!p0 $0x1BF5;
	p2 =	por !p2, p0  }
0x20: {  	[sflag:s8] =	ssyncset.s32 @!p0 $0xFFFFF086;
	s6 =	sadd.s32 @!p0 s3, s7;
	s7 =	simm.s32 @!p0 $0x108  }
0x21: {  	s3 =	sadd.s32 s3, s9;
	s6 =	sadd.s32 @!p0 $0x88, s6;
	s7 =	simm.s32 @p2 $0x1082  }
0x22: {  	[simem:s7], [sflag:s8] =	dma.local @!p0 [hbm:s6], $0xF7A  }
0x23: {  	s9 =	sor.u32 $0xD0000000, s2;
	s6 =	simm.s32 $0x108;
	_ =	swait.ge @!p0 [sflag:s8], $0x0  }
0x24: {  	s3 =	sadd.s32 $0x88, s3;
	s6 =	simm.s32 @!p1 $0x1082;
	[sflag:s4] =	ssyncset.s32 $0xFFFFF086  }
0x25: {  	[simem:s6], [sflag:s4] =	dma.local [hbm:s3], $0xF7A  }
0x26: {  	[smem:$0x3F9B] =	sst s1;
	(tag) =	ssettag s2;
	_ =	strace s9  }
0x27: {  	s1 =	sld [smem:$0x3FAB]  }
0x28: {  	s2 =	sld [smem:$0x3FAC]  }
0x29: {  	s4 =	sld [smem:$0x3FAE]  }
0x2a: {  	p0 =	seq.s32 s5, $0x0;
	s5 =	sld [smem:$0x3FAF]  }
0x2b: {  	s6 =	sld [smem:$0x3FB0]  }
0x2c: {  	s7 =	sld [smem:$0x3FB1]  }
0x2d: {  	s3 =	simm.s32 $0x108;
	s8 =	sld [smem:$0x3FB2]  }
0x2e: {  	s3 =	simm.s32 @!p0 $0x1082;
	s9 =	sld [smem:$0x3FB3]  }
0x2f: {  	lr =	sadd.s32 s0, s3;
	s0 =	sld [smem:$0x3FAA]  }
0x30: {  	s3 =	sld [smem:$0x3FAD]  }
0x31: {  	[smem:$0x3FB6] =	sst s10  }
0x32: {  	s10 =	sld [smem:$0x3FB4];
	_ =	sdelay $0x3  }
0x33: {  	p0 =	seq.s32 s10, $0x1;
	s10 =	sld [smem:$0x3FB6];
	_ =	sdelay $0x3  }
0x34: {  	[smem:$0x3FB6] =	sst s10  }
0x35: {  	s10 =	sld [smem:$0x3FB5];
	_ =	sdelay $0x3  }
0x36: {  	p1 =	seq.s32 s10, $0x1;
	s10 =	sld [smem:$0x3FB6];
	_ =	sdelay $0x3  }
0x37: {  	[smem:$0x3FB6] =	sst s10  }
0x38: {  	s10 =	sld [smem:$0x3FB7]  }
0x39: {  	_ = 	snop;
	(pc) =	sbr.ind lr, $3  }
0x3a: {  	_ = 	snop  }
0x3b: {  	_ = 	snop  }
0x3c: {  	p2 =	seq.s32 s10, $0x1;
	s10 =	sld [smem:$0x3FB6]  }
0x3d: {  	_ =	shalt  }
0x3e: {  	_ =	shalt  }
0x3f: {  	_ =	shalt  }
0x40: {  	_ =	shalt  }
0x41: {  	_ =	shalt  }
0x42: {  	_ =	shalt  }
0x43: {  	_ =	shalt  }
0x44: {  	_ =	shalt  }
0x45: {  	_ =	shalt  }
0x46: {  	_ =	shalt  }
0x47: {  	_ =	shalt  }
0x48: {  	_ =	shalt  }
0x49: {  	_ =	shalt  }
0x4a: {  	_ =	shalt  }
0x4b: {  	_ =	shalt  }
0x4c: {  	_ =	shalt  }
0x4d: {  	_ =	shalt  }
0x4e: {  	_ =	shalt  }
0x4f: {  	_ =	shalt  }
0x50: {  	_ =	shalt  }
0x51: {  	_ =	shalt  }
0x52: {  	_ =	shalt  }
0x53: {  	_ =	shalt  }
0x54: {  	_ =	shalt  }
0x55: {  	_ =	shalt  }
0x56: {  	_ =	shalt  }
0x57: {  	_ =	shalt  }
0x58: {  	_ =	shalt  }
0x59: {  	_ =	shalt  }
0x5a: {  	_ =	shalt  }
0x5b: {  	_ =	shalt  }
0x5c: {  	_ =	shalt  }
0x5d: {  	_ =	shalt  }
0x5e: {  	_ =	shalt  }
0x5f: {  	_ =	shalt  }
0x60: {  	_ =	shalt  }
0x61: {  	_ =	shalt  }
0x62: {  	_ =	shalt  }
0x63: {  	_ =	shalt  }
0x64: {  	_ =	shalt  }
0x65: {  	_ =	shalt  }
0x66: {  	_ =	shalt  }
0x67: {  	_ =	shalt  }
0x68: {  	_ =	shalt  }
0x69: {  	_ =	shalt  }
0x6a: {  	_ =	shalt  }
0x6b: {  	_ =	shalt  }
0x6c: {  	_ =	shalt  }
0x6d: {  	_ =	shalt  }
0x6e: {  	_ =	shalt  }
0x6f: {  	_ =	shalt  }
0x70: {  	_ =	shalt  }
0x71: {  	_ =	shalt  }
0x72: {  	_ =	shalt  }
0x73: {  	_ =	shalt  }
0x74: {  	_ =	shalt  }
0x75: {  	_ =	shalt  }
0x76: {  	_ =	shalt  }
0x77: {  	_ =	shalt  }
0x78: {  	_ =	shalt  }
0x79: {  	_ =	shalt  }
0x7a: {  	_ =	shalt  }
0x7b: {  	_ =	shalt  }
0x7c: {  	_ =	shalt  }
0x7d: {  	_ =	shalt  }
0x7e: {  	_ =	shalt  }
0x7f: {  	_ =	shalt  }
0x80: {  	_ =	shalt  }
0x81: {  	_ =	shalt  }
0x82: {  	_ =	shalt  }
0x83: {  	_ =	shalt  }
0x84: {  	_ =	shalt  }
0x85: {  	_ =	shalt  }
0x86: {  	_ =	shalt  }
0x87: {  	_ =	shalt  }
.Lfunc_end0:
.L_simem_size_0:
called_computation_lowered:
.L_overlay_start_0:
0x88: {  	s2 =	sld [smem:$0x3FD9]  }
0x89: {  	s3 =	sld [smem:$0x3FFE];
	_ =	sdelay $0x1  }
0x8a: {  	s1 =	srdreg.scid  }
0x8b: {  	s0 =	sand.u32 $0x1, s1  }
0x8c: {  	s17 =	sshll.u32 s0, $0xA;
	s2 =	sadd.s32 s3, s2  }
0x8d: {  	s2 =	sadd.s32 s2, s17  }
0x8e: {  	[smem:$0x3FC2] =	sst s2  }
0x8f: {  	_ = 	snop  }
0x90: {  	s2 =	sld [smem:$0x3FC8]  }
0x91: {  	s18 =	sld [smem:$0x3FC7]  }
0x92: {  	s4 =	sld [smem:$0x3FD0];
	(tm) =	ssettm $0x1  }
0x93: {  	s5 =	sld [smem:$0x3FFB];
	_ =	sdelay $0x3  }
0x94: {  	_ =	strace s5  }
0x95: {  	s5 =	sld [smem:$0x3FFC];
	_ =	sdelay $0x3  }
0x96: {  	_ =	strace s5  }
0x97: {  	s5 =	sld [smem:$0x3FFD];
	_ =	sdelay $0x3  }
0x98: {  	_ =	strace s5  }
0x99: {  	_ =	strace $0x8FFFFFFF  }
0x9a: {  	s19 =	sld [smem:$0x3FDB];
	_ =	sdelay $0x1  }
0x9b: {  	s6 =	simm.s32 $_scs_section_size  }
0x9c: {  	s7 =	simm.s32 $_size__tile_overlayer_lowered;
	s8 =	simm.s32 $_tile_overlayer_lowered  }
0x9d: {  	s22 =	simm.s32 $0x1BFF;
	s21 =	sshll.u32 s8, $0x1;
	s5 =	sadd.s32 s6, s19  }
0x9e: {  	s9 =	simm.s32 $0x0;
	s20 =	sshll.u32 s7, $0x1;
	s7 =	sadd.s32 s21, s5  }
0x9f: {  	[timem:s9], [sflag:s22] =	dma.local [hbm:s7], s20  }
0xa0: {  	_ =	swait.ge [sflag:s22], s20  }
0xa1: {  	s6 =	ssub.s32 $0x0, s20;
	[sflag:s22] =	ssyncset.done $0x0  }
0xa2: {  	[sflag:s22] =	ssyncadd.s32 s6;
	_ =	sdelay $0x1  }
0xa3: {  	s23 =	simm.s32 $0x1B8B  }
0xa4: {  	_ =	swait.ge [sflag:s23], $0x1  }
0xa5: {  	[sflag:s23] =	ssyncset.done $0x0  }
0xa6: {  	s25 =	simm.s32 $0x1B8E;
	s24 =	sld [smem:$0x3FFE];
	[sflag:s23] =	ssyncadd.s32 $0xFFFFFFFF  }
0xa7: {  	s26 =	simm.s32 $execute0_lowered;
	[smem:$0x3FD2] =	sst s25  }
0xa8: {  	s7 =	sshll.u32 s26, $0x1;
	_ =	strace $0x80000046;
	[dreg:$0x1] =	wrdreg $0xFFFFFFFF  }
0xa9: {  	s28 =	simm.s32 $_size_execute0_lowered;
	s5 =	sadd.s32 s5, s7;
	[dreg:$0x0] =	wrdreg $0x0  }
0xaa: {  	s7 =	sshll.u32 s28, $0x1;
	[dreg:$0x2] =	wrdreg s5  }
0xab: {  	[dreg:$0x3] =	wrdreg s7  }
0xac: {  	[dreg:$0x4] =	wrdreg $0xC0  }
0xad: {  	_ =	task [dreg:s9], $0x5FFFF  }
0xae: {  	[dreg:$0x1] =	wrdreg $0xFFFFFFFF  }
0xaf: {  	[dreg:$0x0] =	wrdreg $0x60  }
0xb0: {  	[dreg:$0x2] =	wrdreg s2  }
0xb1: {  	[dreg:$0x3] =	wrdreg s18  }
0xb2: {  	[dreg:$0x4] =	wrdreg s4  }
0xb3: {  	[dreg:$0x5] =	wrdreg s24  }
0xb4: {  	[dreg:$0x6] =	wrdreg $0x0  }
0xb5: {  	[dreg:$0x7] =	wrdreg $0x9  }
0xb6: {  	_ =	task.clear_ibuf [dreg:s9], $0x8FFFF;
	_ =	strace $0x90000046  }
0xb7: {  	s29 =	simm.s32 $0x9;
	_ =	strace $0x80000048  }
0xb8: {  	_ =	swait.ge [sflag:s29], $0x1  }
0xb9: {  	[sflag:s29] =	ssyncadd.s32 $0xFFFFFFFF  }
0xba: {  	_ =	strace $0x90000048  }
0xbb: {  	_ =	sfence  }
0xbc: {  	s30 =	sld [smem:$0x0];
	_ =	sdelay $0x2  }
0xbd: {  	s31 =	sshll.u32 s1, $0xD;
	s1 =	sshrl.u32 s1, $0x2  }
0xbe: {  	s3 =	sand.u32 $0x4000, s31;
	s1 =	sadd.s32 s1, s30  }
0xbf: {  	s0 =	sor.u32 s3, s0;
	s1 =	sshll.u32 s1, $0x11  }
0xc0: {  	s0 =	sor.u32 s1, s0  }
0xc1: {  	s0 =	sadd.s32 $0x8F2B, s0  }
0xc2: {  	[sflag:s0] =	ssyncadd.remote.s32 $0x1  }
0xc3: {  	_ =	sfence.sel $0xFFFF  }
0xc4: {  	[dreg:$0x0] =	wrdreg $0xFFFFFFFF;
	(pc) =	sbr.abs _section_cstart, $3  }
0xc5: {  	[dreg:$0x1] =	wrdreg $0xFFFFFFFF  }
0xc6: {  	_ =	task.clear_ibuf [dreg:s9], $0x2FFFF;
	_ =	strace $0x9FFFFFFF  }
0xc7: {  	(tm) =	ssettm $0x7FFFFFFF  }
tec
execute0_lowered:
.L_overlay_start_1:
0x0: {  	(tag) =	ssettag $0x1  }
0x1: {  	s0 =	rddreg [dreg:$0x0]  }
0x2: {  	s1 =	rddreg [dreg:$0x1]  }
0x3: {  	s4 =	rddreg [dreg:$0x2]  }
0x4: {  	s5 =	rddreg [dreg:$0x3]  }
0x5: {  	s2 =	rddreg [dreg:$0x4]  }
0x6: {  	s6 =	srdreg.scid;
	s16 =	stileid.u32  }
0x7: {  	s3 =	simm.s32 $0x0;
	s28 =	simm.s32 $0x1C880;
	s26 =	smul.u32 $0x50000, s16  }
0x8: {  	s29 =	simm.s32 $0x1F080;
	s30 =	simm.s32 $0x5;
	s15 =	smul.u32 $0x2800, s16  }
0x9: {  	s31 =	simm.s32 $0x1;
	s6 =	sand.u32 $0x1, s6;
	s21 =	smul.u32 $0x4E200, s16  }
0xa: {  	s7 =	sshll.u32 s16, $0x1;
	[smem:$0x7FF] =	sst s3;
	s14 =	smul.u32 $0x27100, s6  }
0xb: {  	s7 =	sor.u32 s6, s7;
	s8 =	ssub.s32 $0x2, s6;
	s6 =	smul.u32 $0x138800, s6  }
0xc: {  	s10 =	sadd.s32 $0x10000, s5;
	p0 =	seq.s32 s16, $0xF;
	s9 =	smul.u32 $0x138800, s7  }
0xd: {  	s11 =	sshrl.u32 s8, $0x1;
	s12 =	smul.u32 $0x27100, s7;
	s7 =	sshll.u32 s7, $0xB  }
0xe: {  	_ =	strace $0x80000047;
	s11 =	ssub.s32 s8, s11;
	s4 =	sadd.s32 s4, s7  }
0xf: {  	s5 =	sadd.s32 s5, s7;
	s18 =	sadd.s32 s15, s14;
	s19 =	sshrl.u32 s6, $0x3  }
0x10: {  	s6 =	sadd.s32 s21, s1;
	s22 =	sshrl.u32 s9, $0x3;
	[dreg:$0x6] =	wrdreg s4  }
0x11: {  	s23 =	sadd.s32 s0, s12;
	s9 =	sshrl.u32 s26, $0x2;
	[dreg:$0xa] =	wrdreg s5  }
0x12: {  	s7 =	sadd.s32 s1, s12;
	s5 =	sadd.s32 s10, s19;
	s20 =	sadd.s32 $0x26700, s12  }
0x13: {  	s26 =	sadd.s32 s14, s6;
	s6 =	simm.s32 $0x17480;
	[dreg:$0x7] =	wrdreg s23  }
0x14: {  	s24 =	sadd.s32 $0x500, s22;
	s13 =	sadd.s32 $0xA00, s22;
	s9 =	sadd.s32 s9, s2  }
0x15: {  	[dreg:$0xb] =	wrdreg s7;
	s5 =	sadd.s32 $0x25800, s5;
	s22 =	smax.u32 s11, $0x1  }
0x16: {  	s23 =	sadd.s32 s0, s20;
	s19 =	sadd.s32 s1, s20;
	s7 =	simm.s32 $0x17500  }
0x17: {  	s11 =	simm.s32 $0x17600;
	s25 =	sadd.s32 s0, s24;
	[dreg:$0xf] =	wrdreg s5  }
0x18: {  	s8 =	sadd.s32 s0, s13;
	s4 =	sadd.s32 s1, s24;
	[dreg:$0x10] =	wrdreg s22  }
0x19: {  	s17 =	sadd.s32 s1, s13;
	[dreg:$0x11] =	wrdreg s23;
	s24 =	sadd.s32 $0x26C00, s12  }
0x1a: {  	s22 =	sadd.s32 $0x1900, s26;
	s23 =	simm.s32 $0x13880;
	[dreg:$0x8] =	wrdreg s25  }
0x1b: {  	s26 =	simm.s32 $0x1A080;
	s5 =	simm.s32 $0x4;
	[dreg:$0x9] =	wrdreg s8  }
0x1c: {  	s12 =	simm.s32 $0x17680;
	s13 =	simm.s32 $0x0;
	[dreg:$0xc] =	wrdreg s4  }
0x1d: {  	s8 =	simm.s32 $0x19;
	[dreg:$0xd] =	wrdreg s17;
	s4 =	sadd.s32 s10, s18  }
0x1e: {  	s25 =	sadd.s32 s0, s24;
	s0 =	sadd.s32 s21, s0;
	s20 =	sadd.s32 s1, s24  }
0x1f: {  	s24 =	simm.s32 $0x17880;
	s1 =	simm.s32 $0x50;
	s10 =	simm.s32 $0x17580  }
0x20: {  	s8 =	simm.s32 @!p0 $0x28;
	[dreg:$0xe] =	wrdreg s4;
	s0 =	sadd.s32 s14, s0  }
0x21: {  	s4 =	sadd.s32 $0x12C000, s2;
	[dreg:$0x12] =	wrdreg s25;
	s16 =	sadd.s32 $0x1900, s0  }
0x22: {  	v0 =	vimm.f32 $0.0e+00;
	s25 =	sshrl.u32 @p0 s4, $0x3;
	s0 =	simm.s32 $0x2;
	s4 =	simm.s32 $0x3  }
.LBB2_1:
0x23: {  	s14 =	rddreg [dreg:$0x6]  }
0x24: {  	[tilespmem:s23], [sflag:$0x1] =	stream.linear.gather [hbm4b:s14+s3], $0x3E80, $0x38;
	[tilespmem:$0x1F880] =	vst v63  }
0x25: {  	s17 =	rddreg [dreg:$0x7]  }
0x26: {  	[tilespmem:s24], [sflag:$0x2] =	stream.linear.gather [hbm4b:s17+s3], $0x2800, $0x38;
	[tilespmem:$0x1F880] =	vst v63  }
0x27: {  	s18 =	rddreg [dreg:$0x8]  }
0x28: {  	[tilespmem:s26], [sflag:$0x3] =	stream.linear.gather [hbm4b:s18+s3], $0x2800, $0x38;
	[tilespmem:$0x1F880] =	vst v63  }
0x29: {  	s21 =	rddreg [dreg:$0x9];
	s15 =	simm.s32 $0x200;
	s14 =	simm.s32 $0x0  }
0x2a: {  	[tilespmem:s28], [sflag:$0x4] =	stream.linear.gather [hbm4b:s21+s3], $0x2800, $0x38;
	[tilespmem:$0x1F880] =	vst v63  }
.LBB2_2:
0x2b: {  	p1 =	sne.s32 s15, $0x1E00;
	[tilespmem:s14+$0x1F0F0] =	vst v0  }
0x2c: {  	[tilespmem:s14+$0x1F080] =	vst v0  }
0x2d: {  	[tilespmem:s14+$0x1F090] =	vst v0  }
.Ltmp0:
0x2e: {  	[tilespmem:s14+$0x1F0A0] =	vst v0;
	(pc) =	sbr.rel @p1 .LBB2_2-.Ltmp0, $4  }
0x2f: {  	[tilespmem:s14+$0x1F0B0] =	vst v0  }
0x30: {  	[tilespmem:s14+$0x1F0C0] =	vst v0  }
0x31: {  	[tilespmem:s14+$0x1F0D0] =	vst v0  }
0x32: {  	[tilespmem:s14+$0x1F0E0] =	vst v0;
	s14 =	sshra.s32 s15, $0x2;
	s15 =	sadd.s32 $0x200, s15  }
0x33: {  	[tilespmem:s14+$0x1F0F0] =	vst v0  }
0x34: {  	[tilespmem:s14+$0x1F080] =	vst v0  }
0x35: {  	[tilespmem:s14+$0x1F090] =	vst v0  }
0x36: {  	[tilespmem:s14+$0x1F0A0] =	vst v0  }
0x37: {  	[tilespmem:s14+$0x1F0B0] =	vst v0  }
0x38: {  	[tilespmem:s14+$0x1F0C0] =	vst v0;
	p1 =	sne.s32 s8, $0x1  }
.Ltmp1:
0x39: {  	[tilespmem:s14+$0x1F0D0] =	vst v0;
	(pc) =	sbr.rel @!p1 .LBB2_5-.Ltmp1, $4  }
0x3a: {  	[tilespmem:s14+$0x1F0E0] =	vst v0  }
0x3b: {  	[spmem:s9] =	stream.linear.scatter [tilespmem:s29], [sflag:$0x5], $0x800, $0x38;
	[tilespmem:$0x1F880] =	vst v63  }
0x3c: {  	_ =	swait.ge [sflag:s30], $0x800  }
0x3d: {  	s14 =	sadd.s32 $0xFFFFFFFF, s8;
	s15 =	smov.u32 s9;
	[sflag:s30] =	ssyncset.done $0x0  }
.LBB2_4:
0x3e: {  	p1 =	sne.s32 s14, $0x1;
	[sflag:s30] =	ssyncadd.s32 $0xFFFFF800;
	s15 =	sadd.s32 $0x800, s15  }
.Ltmp2:
0x3f: {  	s14 =	sadd.s32 $0xFFFFFFFF, s14;
	(pc) =	sbr.rel @p1 .LBB2_4-.Ltmp2, $4  }
0x40: {  	_ = 	snop  }
0x41: {  	[spmem:s15] =	stream.linear.scatter [tilespmem:s29], [sflag:$0x5], $0x800, $0x38;
	[tilespmem:$0x1F880] =	vst v63  }
0x42: {  	_ =	swait.ge [sflag:s30], $0x800  }
0x43: {  	[sflag:s30] =	ssyncset.done $0x0  }
.LBB2_5:
0x44: {  	[sflag:s30] =	ssyncadd.s32 $0xFFFFF800  }
0x45: {  	[bflag:$0x0] =	sbarrier.arrive $0xFFFF  }
0x46: {  	_ =	swait.ge [sflag:s31], $0x3E80  }
0x47: {  	[sflag:s31] =	ssyncset.done $0x0  }
0x48: {  	[sflag:s31] =	ssyncadd.s32 $0xFFFFC180  }
0x49: {  	_ =	swait.ge [sflag:s0], $0x2800  }
0x4a: {  	[sflag:s0] =	ssyncset.done $0x0  }
0x4b: {  	s14 =	simm.s32 $0x13880;
	[sflag:s0] =	ssyncadd.s32 $0xFFFFD800  }
0x4c: {  	[spmem:s2] =	stream.indirect.scatter.add.f32 [tilespmem:s24], [sflag:$0x5], $0x80, s14, s1, $0xb8;
	[tilespmem:$0x1F880] =	vst v63  }
0x4d: {  	_ =	swait.ge [sflag:s30], $0x2800  }
0x4e: {  	[sflag:s30] =	ssyncset.done $0x0  }
0x4f: {  	s15 =	sadd.s32 $0xFFFFF600, s16;
	[sflag:s30] =	ssyncadd.s32 $0xFFFFD800  }
0x50: {  	[tilespmem:s24], [sflag:$0x2] =	stream.linear.gather [hbm4b:s15+s3], $0x2800, $0x38;
	[tilespmem:$0x1F880] =	vst v63  }
0x51: {  	_ =	swait.ge [sflag:s4], $0x2800  }
0x52: {  	[sflag:s4] =	ssyncset.done $0x0  }
0x53: {  	s17 =	simm.s32 $0x13900;
	[sflag:s4] =	ssyncadd.s32 $0xFFFFD800  }
0x54: {  	[spmem:s2] =	stream.indirect.scatter.add.f32 [tilespmem:s26], [sflag:$0x5], $0x80, s17, s1, $0xb8;
	[tilespmem:$0x1F880] =	vst v63  }
0x55: {  	_ =	swait.ge [sflag:s30], $0x2800  }
0x56: {  	[sflag:s30] =	ssyncset.done $0x0  }
0x57: {  	s18 =	sadd.s32 $0xFFFFFB00, s16;
	[sflag:s30] =	ssyncadd.s32 $0xFFFFD800  }
0x58: {  	[tilespmem:s26], [sflag:$0x3] =	stream.linear.gather [hbm4b:s18+s3], $0x2800, $0x38;
	[tilespmem:$0x1F880] =	vst v63  }
0x59: {  	_ =	swait.ge [sflag:s5], $0x2800  }
0x5a: {  	[sflag:s5] =	ssyncset.done $0x0  }
0x5b: {  	s21 =	simm.s32 $0x13980;
	[sflag:s5] =	ssyncadd.s32 $0xFFFFD800  }
0x5c: {  	[spmem:s2] =	stream.indirect.scatter.add.f32 [tilespmem:s28], [sflag:$0x5], $0x80, s21, s1, $0xb8;
	[tilespmem:$0x1F880] =	vst v63  }
0x5d: {  	_ =	swait.ge [sflag:s30], $0x2800  }
0x5e: {  	s14 =	simm.s32 $0x600;
	[sflag:s30] =	ssyncset.done $0x0  }
0x5f: {  	s15 =	sadd.s32 $0xF00, s16;
	s21 =	smov.u32 s16;
	[sflag:s30] =	ssyncadd.s32 $0xFFFFD800  }
.LBB2_6:
0x60: {  	[tilespmem:s28], [sflag:$0x4] =	stream.linear.gather [hbm4b:s21+s3], $0x2800, $0x38;
	[tilespmem:$0x1F880] =	vst v63  }
0x61: {  	s17 =	smov.u32 s14;
	s21 =	smov.u32 s15  }
0x62: {  	p1 =	sne.s32 s14, $0xEA00;
	s14 =	sadd.s32 $0x600, s14;
	_ =	swait.ge [sflag:s0], $0x2800  }
0x63: {  	s17 =	sshra.s32 s17, $0x2;
	[sflag:s0] =	ssyncset.done $0x0  }
0x64: {  	s18 =	sadd.s32 $0x13880, s17;
	[sflag:s0] =	ssyncadd.s32 $0xFFFFD800  }
0x65: {  	[spmem:s2] =	stream.indirect.scatter.add.f32 [tilespmem:s24], [sflag:$0x5], $0x80, s18, s1, $0xb8;
	[tilespmem:$0x1F880] =	vst v63  }
0x66: {  	_ =	swait.ge [sflag:s30], $0x2800  }
0x67: {  	[sflag:s30] =	ssyncset.done $0x0  }
0x68: {  	s18 =	sadd.s32 $0xFFFFF600, s15;
	[sflag:s30] =	ssyncadd.s32 $0xFFFFD800  }
0x69: {  	[tilespmem:s24], [sflag:$0x2] =	stream.linear.gather [hbm4b:s18+s3], $0x2800, $0x38;
	[tilespmem:$0x1F880] =	vst v63  }
0x6a: {  	_ =	swait.ge [sflag:s4], $0x2800  }
0x6b: {  	[sflag:s4] =	ssyncset.done $0x0  }
0x6c: {  	s18 =	sadd.s32 $0x13900, s17;
	[sflag:s4] =	ssyncadd.s32 $0xFFFFD800  }
0x6d: {  	[spmem:s2] =	stream.indirect.scatter.add.f32 [tilespmem:s26], [sflag:$0x5], $0x80, s18, s1, $0xb8;
	[tilespmem:$0x1F880] =	vst v63  }
0x6e: {  	_ =	swait.ge [sflag:s30], $0x2800  }
0x6f: {  	[sflag:s30] =	ssyncset.done $0x0  }
0x70: {  	s18 =	sadd.s32 $0xFFFFFB00, s15;
	[sflag:s30] =	ssyncadd.s32 $0xFFFFD800  }
0x71: {  	[tilespmem:s26], [sflag:$0x3] =	stream.linear.gather [hbm4b:s18+s3], $0x2800, $0x38;
	[tilespmem:$0x1F880] =	vst v63  }
0x72: {  	_ =	swait.ge [sflag:s5], $0x2800  }
0x73: {  	[sflag:s5] =	ssyncset.done $0x0  }
.Ltmp3:
0x74: {  	s17 =	sadd.s32 $0x13980, s17;
	[sflag:s5] =	ssyncadd.s32 $0xFFFFD800;
	(pc) =	sbr.rel @p1 .LBB2_6-.Ltmp3, $4  }
0x75: {  	[spmem:s2] =	stream.indirect.scatter.add.f32 [tilespmem:s28], [sflag:$0x5], $0x80, s17, s1, $0xb8;
	[tilespmem:$0x1F880] =	vst v63  }
0x76: {  	_ =	swait.ge [sflag:s30], $0x2800  }
0x77: {  	[sflag:s30] =	ssyncset.done $0x0  }
0x78: {  	s15 =	sadd.s32 $0xF00, s15;
	[sflag:s30] =	ssyncadd.s32 $0xFFFFD800  }
0x79: {  	[tilespmem:s28], [sflag:$0x4] =	stream.linear.gather [hbm4b:s21+s3], $0x2800, $0x38;
	[tilespmem:$0x1F880] =	vst v63  }
0x7a: {  	_ =	swait.ge [sflag:s0], $0x2800  }
0x7b: {  	[sflag:s0] =	ssyncset.done $0x0  }
0x7c: {  	[sflag:s0] =	ssyncadd.s32 $0xFFFFD800  }
0x7d: {  	[spmem:s2] =	stream.indirect.scatter.add.f32 [tilespmem:s24], [sflag:$0x5], $0x80, s6, s1, $0xb8;
	[tilespmem:$0x1F880] =	vst v63  }
0x7e: {  	_ =	swait.ge [sflag:s30], $0x2800  }
0x7f: {  	[sflag:s30] =	ssyncset.done $0x0  }
0x80: {  	s14 =	simm.s32 $0x0;
	s15 =	rddreg [dreg:$0x11];
	[sflag:s30] =	ssyncadd.s32 $0xFFFFD800  }
0x81: {  	[tilespmem:s24], [sflag:$0x2] =	stream.linear.gather [hbm4b:s15+s14], $0x2800, $0x38;
	[tilespmem:$0x1F880] =	vst v63  }
0x82: {  	_ =	swait.ge [sflag:s4], $0x2800  }
0x83: {  	[sflag:s4] =	ssyncset.done $0x0  }
0x84: {  	[sflag:s4] =	ssyncadd.s32 $0xFFFFD800  }
0x85: {  	[spmem:s2] =	stream.indirect.scatter.add.f32 [tilespmem:s26], [sflag:$0x5], $0x80, s7, s1, $0xb8;
	[tilespmem:$0x1F880] =	vst v63  }
0x86: {  	_ =	swait.ge [sflag:s30], $0x2800  }
0x87: {  	[sflag:s30] =	ssyncset.done $0x0  }
0x88: {  	s17 =	rddreg [dreg:$0x12];
	[sflag:s30] =	ssyncadd.s32 $0xFFFFD800  }
0x89: {  	[tilespmem:s26], [sflag:$0x3] =	stream.linear.gather [hbm4b:s17+s14], $0x2800, $0x38;
	[tilespmem:$0x1F880] =	vst v63  }
0x8a: {  	_ =	swait.ge [sflag:s5], $0x2800  }
0x8b: {  	[sflag:s5] =	ssyncset.done $0x0  }
0x8c: {  	[sflag:s5] =	ssyncadd.s32 $0xFFFFD800  }
0x8d: {  	[spmem:s2] =	stream.indirect.scatter.add.f32 [tilespmem:s28], [sflag:$0x5], $0x80, s10, s1, $0xb8;
	[tilespmem:$0x1F880] =	vst v63  }
0x8e: {  	_ =	swait.ge [sflag:s30], $0x2800  }
0x8f: {  	[sflag:s30] =	ssyncset.done $0x0  }
0x90: {  	[sflag:s30] =	ssyncadd.s32 $0xFFFFD800  }
0x91: {  	_ =	swait.ge [sflag:s0], $0x2800  }
0x92: {  	[sflag:s0] =	ssyncset.done $0x0  }
0x93: {  	[sflag:s0] =	ssyncadd.s32 $0xFFFFD800  }
0x94: {  	[spmem:s2] =	stream.indirect.scatter.add.f32 [tilespmem:s24], [sflag:$0x5], $0x80, s11, s1, $0xb8;
	[tilespmem:$0x1F880] =	vst v63  }
0x95: {  	_ =	swait.ge [sflag:s30], $0x2800  }
0x96: {  	[sflag:s30] =	ssyncset.done $0x0  }
0x97: {  	[sflag:s30] =	ssyncadd.s32 $0xFFFFD800  }
0x98: {  	_ =	swait.ge [sflag:s4], $0x2800  }
0x99: {  	[sflag:s4] =	ssyncset.done $0x0  }
0x9a: {  	[sflag:s4] =	ssyncadd.s32 $0xFFFFD800  }
0x9b: {  	[spmem:s2] =	stream.indirect.scatter.add.f32 [tilespmem:s26], [sflag:$0x5], $0x80, s12, s1, $0xb8;
	[tilespmem:$0x1F880] =	vst v63  }
0x9c: {  	_ =	swait.ge [sflag:s30], $0x2800  }
0x9d: {  	[sflag:s30] =	ssyncset.done $0x0  }
0x9e: {  	s18 =	rddreg [dreg:$0xa];
	[sflag:s30] =	ssyncadd.s32 $0xFFFFD800  }
0x9f: {  	[tilespmem:s23], [sflag:$0x5] =	stream.linear.gather [hbm4b:s18+s14], $0x3E80, $0x38;
	[tilespmem:$0x1F880] =	vst v63  }
0xa0: {  	_ =	swait.ge [sflag:s30], $0x3E80  }
0xa1: {  	[sflag:s30] =	ssyncset.done $0x0  }
0xa2: {  	s21 =	rddreg [dreg:$0xb];
	[sflag:s30] =	ssyncadd.s32 $0xFFFFC180  }
0xa3: {  	[tilespmem:s24], [sflag:$0x2] =	stream.linear.gather [hbm4b:s21+s14], $0x2800, $0x38;
	[tilespmem:$0x1F880] =	vst v63  }
0xa4: {  	s17 =	rddreg [dreg:$0xc]  }
0xa5: {  	[tilespmem:s26], [sflag:$0x3] =	stream.linear.gather [hbm4b:s17+s14], $0x2800, $0x38;
	[tilespmem:$0x1F880] =	vst v63  }
0xa6: {  	s18 =	rddreg [dreg:$0xd]  }
0xa7: {  	[tilespmem:s28], [sflag:$0x4] =	stream.linear.gather [hbm4b:s18+s14], $0x2800, $0x38;
	[tilespmem:$0x1F880] =	vst v63  }
0xa8: {  	_ =	swait.ge [sflag:s0], $0x2800  }
0xa9: {  	[sflag:s0] =	ssyncset.done $0x0  }
0xaa: {  	s21 =	simm.s32 $0x13880;
	[sflag:s0] =	ssyncadd.s32 $0xFFFFD800  }
0xab: {  	[spmem:s2] =	stream.indirect.scatter.add.f32 [tilespmem:s24], [sflag:$0x5], $0x80, s21, s1, $0xb8;
	[tilespmem:$0x1F880] =	vst v63  }
0xac: {  	_ =	swait.ge [sflag:s30], $0x2800  }
0xad: {  	[sflag:s30] =	ssyncset.done $0x0  }
0xae: {  	s15 =	sadd.s32 $0xFFFFF600, s22;
	[sflag:s30] =	ssyncadd.s32 $0xFFFFD800  }
0xaf: {  	[tilespmem:s24], [sflag:$0x2] =	stream.linear.gather [hbm4b:s15+s3], $0x2800, $0x38;
	[tilespmem:$0x1F880] =	vst v63  }
0xb0: {  	_ =	swait.ge [sflag:s4], $0x2800  }
0xb1: {  	[sflag:s4] =	ssyncset.done $0x0  }
0xb2: {  	s17 =	simm.s32 $0x13900;
	[sflag:s4] =	ssyncadd.s32 $0xFFFFD800  }
0xb3: {  	[spmem:s2] =	stream.indirect.scatter.add.f32 [tilespmem:s26], [sflag:$0x5], $0x80, s17, s1, $0xb8;
	[tilespmem:$0x1F880] =	vst v63  }
0xb4: {  	_ =	swait.ge [sflag:s30], $0x2800  }
0xb5: {  	[sflag:s30] =	ssyncset.done $0x0  }
0xb6: {  	s18 =	sadd.s32 $0xFFFFFB00, s22;
	[sflag:s30] =	ssyncadd.s32 $0xFFFFD800  }
0xb7: {  	[tilespmem:s26], [sflag:$0x3] =	stream.linear.gather [hbm4b:s18+s3], $0x2800, $0x38;
	[tilespmem:$0x1F880] =	vst v63  }
0xb8: {  	_ =	swait.ge [sflag:s5], $0x2800  }
0xb9: {  	[sflag:s5] =	ssyncset.done $0x0  }
0xba: {  	s21 =	simm.s32 $0x13980;
	[sflag:s5] =	ssyncadd.s32 $0xFFFFD800  }
0xbb: {  	[spmem:s2] =	stream.indirect.scatter.add.f32 [tilespmem:s28], [sflag:$0x5], $0x80, s21, s1, $0xb8;
	[tilespmem:$0x1F880] =	vst v63  }
0xbc: {  	_ =	swait.ge [sflag:s30], $0x2800  }
0xbd: {  	s14 =	simm.s32 $0x600;
	[sflag:s30] =	ssyncset.done $0x0  }
0xbe: {  	s15 =	sadd.s32 $0xF00, s22;
	s21 =	smov.u32 s22;
	[sflag:s30] =	ssyncadd.s32 $0xFFFFD800  }
.LBB2_8:
0xbf: {  	[tilespmem:s28], [sflag:$0x4] =	stream.linear.gather [hbm4b:s21+s3], $0x2800, $0x38;
	[tilespmem:$0x1F880] =	vst v63  }
0xc0: {  	s17 =	smov.u32 s14;
	s21 =	smov.u32 s15  }
0xc1: {  	p1 =	sne.s32 s14, $0xEA00;
	s14 =	sadd.s32 $0x600, s14;
	_ =	swait.ge [sflag:s0], $0x2800  }
0xc2: {  	s17 =	sshra.s32 s17, $0x2;
	[sflag:s0] =	ssyncset.done $0x0  }
0xc3: {  	s18 =	sadd.s32 $0x13880, s17;
	[sflag:s0] =	ssyncadd.s32 $0xFFFFD800  }
0xc4: {  	[spmem:s2] =	stream.indirect.scatter.add.f32 [tilespmem:s24], [sflag:$0x5], $0x80, s18, s1, $0xb8;
	[tilespmem:$0x1F880] =	vst v63  }
0xc5: {  	_ =	swait.ge [sflag:s30], $0x2800  }
0xc6: {  	[sflag:s30] =	ssyncset.done $0x0  }
0xc7: {  	s18 =	sadd.s32 $0xFFFFF600, s15;
	[sflag:s30] =	ssyncadd.s32 $0xFFFFD800  }
0xc8: {  	[tilespmem:s24], [sflag:$0x2] =	stream.linear.gather [hbm4b:s18+s3], $0x2800, $0x38;
	[tilespmem:$0x1F880] =	vst v63  }
0xc9: {  	_ =	swait.ge [sflag:s4], $0x2800  }
0xca: {  	[sflag:s4] =	ssyncset.done $0x0  }
0xcb: {  	s18 =	sadd.s32 $0x13900, s17;
	[sflag:s4] =	ssyncadd.s32 $0xFFFFD800  }
0xcc: {  	[spmem:s2] =	stream.indirect.scatter.add.f32 [tilespmem:s26], [sflag:$0x5], $0x80, s18, s1, $0xb8;
	[tilespmem:$0x1F880] =	vst v63  }
0xcd: {  	_ =	swait.ge [sflag:s30], $0x2800  }
0xce: {  	[sflag:s30] =	ssyncset.done $0x0  }
0xcf: {  	s18 =	sadd.s32 $0xFFFFFB00, s15;
	[sflag:s30] =	ssyncadd.s32 $0xFFFFD800  }
0xd0: {  	[tilespmem:s26], [sflag:$0x3] =	stream.linear.gather [hbm4b:s18+s3], $0x2800, $0x38;
	[tilespmem:$0x1F880] =	vst v63  }
0xd1: {  	_ =	swait.ge [sflag:s5], $0x2800  }
0xd2: {  	[sflag:s5] =	ssyncset.done $0x0  }
.Ltmp4:
0xd3: {  	s17 =	sadd.s32 $0x13980, s17;
	[sflag:s5] =	ssyncadd.s32 $0xFFFFD800;
	(pc) =	sbr.rel @p1 .LBB2_8-.Ltmp4, $4  }
0xd4: {  	[spmem:s2] =	stream.indirect.scatter.add.f32 [tilespmem:s28], [sflag:$0x5], $0x80, s17, s1, $0xb8;
	[tilespmem:$0x1F880] =	vst v63  }
0xd5: {  	_ =	swait.ge [sflag:s30], $0x2800  }
0xd6: {  	[sflag:s30] =	ssyncset.done $0x0  }
0xd7: {  	s15 =	sadd.s32 $0xF00, s15;
	[sflag:s30] =	ssyncadd.s32 $0xFFFFD800  }
0xd8: {  	[tilespmem:s28], [sflag:$0x4] =	stream.linear.gather [hbm4b:s21+s3], $0x2800, $0x38;
	[tilespmem:$0x1F880] =	vst v63  }
0xd9: {  	_ =	swait.ge [sflag:s0], $0x2800  }
0xda: {  	[sflag:s0] =	ssyncset.done $0x0  }
0xdb: {  	[sflag:s0] =	ssyncadd.s32 $0xFFFFD800  }
0xdc: {  	[spmem:s2] =	stream.indirect.scatter.add.f32 [tilespmem:s24], [sflag:$0x5], $0x80, s6, s1, $0xb8;
	[tilespmem:$0x1F880] =	vst v63  }
0xdd: {  	_ =	swait.ge [sflag:s30], $0x2800  }
0xde: {  	[sflag:s30] =	ssyncset.done $0x0  }
0xdf: {  	[sflag:s30] =	ssyncadd.s32 $0xFFFFD800  }
0xe0: {  	[tilespmem:s24], [sflag:$0x2] =	stream.linear.gather [hbm4b:s19+s3], $0x2800, $0x38;
	[tilespmem:$0x1F880] =	vst v63  }
0xe1: {  	_ =	swait.ge [sflag:s4], $0x2800  }
0xe2: {  	[sflag:s4] =	ssyncset.done $0x0  }
0xe3: {  	[sflag:s4] =	ssyncadd.s32 $0xFFFFD800  }
0xe4: {  	[spmem:s2] =	stream.indirect.scatter.add.f32 [tilespmem:s26], [sflag:$0x5], $0x80, s7, s1, $0xb8;
	[tilespmem:$0x1F880] =	vst v63  }
0xe5: {  	_ =	swait.ge [sflag:s30], $0x2800  }
0xe6: {  	[sflag:s30] =	ssyncset.done $0x0  }
0xe7: {  	[sflag:s30] =	ssyncadd.s32 $0xFFFFD800  }
0xe8: {  	[tilespmem:s26], [sflag:$0x3] =	stream.linear.gather [hbm4b:s20+s3], $0x2800, $0x38;
	[tilespmem:$0x1F880] =	vst v63  }
0xe9: {  	_ =	swait.ge [sflag:s5], $0x2800  }
0xea: {  	[sflag:s5] =	ssyncset.done $0x0  }
0xeb: {  	[sflag:s5] =	ssyncadd.s32 $0xFFFFD800  }
0xec: {  	[spmem:s2] =	stream.indirect.scatter.add.f32 [tilespmem:s28], [sflag:$0x5], $0x80, s10, s1, $0xb8;
	[tilespmem:$0x1F880] =	vst v63  }
0xed: {  	_ =	swait.ge [sflag:s30], $0x2800  }
0xee: {  	[sflag:s30] =	ssyncset.done $0x0  }
0xef: {  	[sflag:s30] =	ssyncadd.s32 $0xFFFFD800  }
0xf0: {  	_ =	swait.ge [sflag:s0], $0x2800  }
0xf1: {  	[sflag:s0] =	ssyncset.done $0x0  }
0xf2: {  	[sflag:s0] =	ssyncadd.s32 $0xFFFFD800  }
0xf3: {  	[spmem:s2] =	stream.indirect.scatter.add.f32 [tilespmem:s24], [sflag:$0x5], $0x80, s11, s1, $0xb8;
	[tilespmem:$0x1F880] =	vst v63  }
0xf4: {  	_ =	swait.ge [sflag:s30], $0x2800  }
0xf5: {  	[sflag:s30] =	ssyncset.done $0x0  }
0xf6: {  	[sflag:s30] =	ssyncadd.s32 $0xFFFFD800  }
0xf7: {  	_ =	swait.ge [sflag:s4], $0x2800  }
0xf8: {  	[sflag:s4] =	ssyncset.done $0x0  }
0xf9: {  	[sflag:s4] =	ssyncadd.s32 $0xFFFFD800  }
0xfa: {  	[spmem:s2] =	stream.indirect.scatter.add.f32 [tilespmem:s26], [sflag:$0x5], $0x80, s12, s1, $0xb8;
	[tilespmem:$0x1F880] =	vst v63  }
0xfb: {  	_ =	swait.ge [sflag:s30], $0x2800  }
0xfc: {  	[sflag:s30] =	ssyncset.done $0x0  }
0xfd: {  	[sflag:s30] =	ssyncadd.s32 $0xFFFFD800  }
0xfe: {  	[bflag:$0x0] =	sbarrier.arrive $0xFFFF  }
0xff: {  	s14 =	simm.s32 @p0 $0x1FC5;
	s15 =	rddreg [dreg:$0xf]  }
0x100: {  	[hbm:s15], [sflag:s14] =	dma.local @p0 [spmem:s25], $0x1900  }
0x101: {  	s14 =	simm.s32 @p0 $0x5  }
0x102: {  	s15 =	stileid.u32;
	_ =	swait.ge @p0 [sflag:s14], $0x1900  }
0x103: {  	s15 =	sshll.u32 @!p0 s15, $0x6;
	[sflag:s14] =	ssyncset.done @p0 $0x0;
	s17 =	rddreg [dreg:$0xe]  }
0x104: {  	[sflag:s14] =	ssyncadd.s32 @p0 $0xFFFFE700;
	s14 =	sor.u32 @!p0 $0x1C05, s15;
	s15 =	sshrl.u32 @!p0 s9, $0x3  }
0x105: {  	[hbm:s17], [sflag:s14] =	dma.local @!p0 [spmem:s15], $0x2800  }
0x106: {  	s14 =	simm.s32 @!p0 $0x5  }
0x107: {  	_ =	swait.ge @!p0 [sflag:s14], $0x2800  }
0x108: {  	s13 =	sadd.s32 $0x1, s13;
	s21 =	rddreg [dreg:$0x10]  }
0x109: {  	p1 =	sne.s32 s13, s21  }
.Ltmp5:
0x10a: {  	_ = 	snop;
	(pc) =	sbr.rel @p1 .LBB2_1-.Ltmp5, $3  }
0x10b: {  	_ =	sdelay $0x1  }
0x10c: {  	[sflag:s14] =	ssyncset.done @!p0 $0x0  }
0x10d: {  	[sflag:s14] =	ssyncadd.s32 @!p0 $0xFFFFD800  }
0x10e: {  	_ =	sfence.sel $0x180000  }
0x10f: {  	[bflag:$0x0] =	sbarrier.arrive $0xFFFF  }
0x110: {  	_ =	strace $0x90000047  }
0x111: {  	s0 =	stileid.u32;
	[bflag:$0x2] =	sbarrier.arrive $0xFFFF  }
0x112: {  	p0 =	sne.s32 s0, $0x0;
	s0 =	rddreg [dreg:$0x5]  }
0x113: {  	s0 =	sadd.s32 @!p0 $0x100000, s0  }
0x114: {  	[sflag:s0] =	ssyncadd.tile.s32 @!p0 $0x1;
	_ =	shalt  }
.Lfunc_end2:
_tile_overlayer_lowered:
.L_overlay_start_2:
0x115: {  	(tag) =	ssettag $0x2  }
0x116: {  	s0 =	rddreg [dreg:$0x0];
	s2 =	stileid.u32  }
0x117: {  	s1 =	rddreg [dreg:$0x1];
	p0 =	sne.s32 s2, $0x0  }
0x118: {  	s3 =	rddreg [dreg:$0x2];
	[bflag:$0x3] =	sbarrier.arrive $0xFFFF;
	s2 =	simm.s32 @!p0 $0x1C05  }
0x119: {  	[timem:s3], [sflag:s2] =	dma.local @!p0 [hbm:s0], s1  }
0x11a: {  	s0 =	simm.s32 @!p0 $0x5  }
0x11b: {  	_ =	swait.ge @!p0 [sflag:s0], s1  }
0x11c: {  	s1 =	ssub.s32 @!p0 $0x0, s1;
	[sflag:s0] =	ssyncset.done @!p0 $0x0  }
0x11d: {  	[sflag:s0] =	ssyncadd.s32 @!p0 s1  }
0x11e: {  	[bflag:$0x3] =	sbarrier.arrive $0xFFFF  }
0x11f: {  	_ =	shalt  }

</sc_bundles>
